<compile_context>
chip_gen: v7x
topology: tpu7x:2x2x1
jax: 0.10.2.dev20260603
libtpu: 0.0.44.dev20260713+nightly
codegen_flags: <defaults>
</compile_context>

<pallas_src>
import functools

import jax
import jax.numpy as jnp
from jax import lax
from jax.experimental import pallas as pl
from jax.experimental.pallas import tpu as pltpu
from jax.experimental.pallas import tpu_sc as plsc

B = 8192
D = 768
L = 256
K = 8192

BB = 512
LANES = 128

NW = 32
EPW = B * D // NW
CH = 12288
NCH = EPW // CH


def _tc_body(h_ref, cc_ref, out_ref, c2_ref, ccb_ref):
    i = pl.program_id(0)

    @pl.when(i == 0)
    def _():
        cf = cc_ref[...]
        c2 = jnp.sum(cf * cf, axis=1)
        c2_ref[...] = (0.5 * c2).reshape(1, K).astype(jnp.bfloat16)
        ccb_ref[...] = cf.astype(jnp.bfloat16)

    h = h_ref[...]
    h2 = jnp.sum(h * h, axis=1)

    s = jax.lax.dot_general(
        h.astype(jnp.bfloat16), ccb_ref[...],
        (((1,), (1,)), ((), ())),
        preferred_element_type=jnp.float32,
    )

    sb = s.astype(jnp.bfloat16)
    m = jnp.full((BB, LANES), -jnp.inf, dtype=jnp.bfloat16)
    for t in range(K // LANES):
        sl = slice(t * LANES, (t + 1) * LANES)
        m = jnp.maximum(m, sb[:, sl] - c2_ref[0:1, sl])
    m_row = jnp.max(m.astype(jnp.float32), axis=1)

    d2 = h2 - 2.0 * m_row
    part = jnp.reshape(jnp.sum(d2) / (B * L), (1, 1))

    @pl.when(i == 0)
    def _():
        out_ref[...] = jnp.zeros((1, 1), jnp.float32)
    out_ref[...] += part


def _sc_recon_body(x_hbm, a_hbm, out_hbm, xb, ab, acc_ref, sem):
    wid = lax.axis_index("s") * 2 + lax.axis_index("c")
    base = wid * EPW

    def chunk(k, acc):
        pltpu.sync_copy(x_hbm.at[pl.ds(base + k * CH, CH)], xb)
        pltpu.sync_copy(a_hbm.at[pl.ds(base + k * CH, CH)], ab)

        def inner(j, acc):
            d = xb[pl.ds(j * 16, 16)] - ab[pl.ds(j * 16, 16)]
            return acc + d * d

        return lax.fori_loop(0, CH // 16, inner, acc)

    acc = lax.fori_loop(0, NCH, chunk, jnp.zeros((16,), jnp.float32))
    acc_ref[...] = acc
    pltpu.sync_copy(acc_ref, out_hbm.at[wid])


@functools.partial(
    pl.kernel,
    mesh=plsc.VectorSubcoreMesh(core_axis_name="c", subcore_axis_name="s"),
    out_type=jax.ShapeDtypeStruct((NW, 16), jnp.float32),
    scratch_types=[
        pltpu.VMEM((CH,), jnp.float32),
        pltpu.VMEM((CH,), jnp.float32),
        pltpu.VMEM((16,), jnp.float32),
        pltpu.SemaphoreType.DMA,
    ],
)
def _sc_recon(x_hbm, a_hbm, out_hbm, xb, ab, acc_ref, sem):
    _sc_recon_body(x_hbm, a_hbm, out_hbm, xb, ab, acc_ref, sem)


def kernel(x, h_x, a_x, cluster_centers):
    recon_parts = _sc_recon(x.reshape(-1), a_x.reshape(-1))
    clust = pl.pallas_call(
        _tc_body,
        grid=(B // BB,),
        in_specs=[
            pl.BlockSpec((BB, L), lambda i: (i, 0)),
            pl.BlockSpec((K, L), lambda i: (0, 0)),
        ],
        out_specs=pl.BlockSpec((1, 1), lambda i: (0, 0)),
        out_shape=jax.ShapeDtypeStruct((1, 1), jnp.float32),
        scratch_shapes=[pltpu.VMEM((1, K), jnp.bfloat16),
                        pltpu.VMEM((K, L), jnp.bfloat16)],
    )(h_x, cluster_centers)
    return clust[0, 0] + jnp.sum(recon_parts) / (B * D)

# --- scband reference (transcript-rebuilt; emitter-appended) ---
"""Pipeline reference for scband-dknloss-18769007083702 (READ-ONLY COPY).

The authoritative reference and input builder live on the scoring server;
editing this copy changes nothing except your own understanding.
"""

import jax, jax.numpy as jnp
import numpy as np

LAMBDA_CL = 1.0
K = 8192
LATENT = 256


def setup_inputs(seed: int = 0) -> dict:
    key = jax.random.key(seed)
    k1, k2, k3, k4 = jax.random.split(key, 4)
    x = jax.random.normal(k1, (8192, 768), dtype=jnp.float32)
    h_x = jax.random.normal(k2, (8192, LATENT), dtype=jnp.float32)
    a_x = jax.random.normal(k3, (8192, 768), dtype=jnp.float32)
    cluster_centers = jax.random.uniform(k4, (K, LATENT), dtype=jnp.float32)
    return {"x": x, "h_x": h_x, "a_x": a_x, "cluster_centers": cluster_centers}


def reference(x, h_x, a_x, cluster_centers):
    # reconstruction MSE
    loss_reconstr = jnp.mean((x - a_x) ** 2)
    # cdist (Euclidean) between latents and cluster centers
    h2 = jnp.sum(h_x * h_x, axis=1, keepdims=True)  # [B,1]
    c2 = jnp.sum(cluster_centers * cluster_centers, axis=1)[None, :]  # [1,K]
    d2 = h2 + c2 - 2.0 * (h_x @ cluster_centers.T)
    distances = jnp.sqrt(jnp.clip(d2, 0.0, None))
    cluster_assignments = jnp.argmin(distances, axis=1)
    r_x = jnp.take(cluster_centers, cluster_assignments, axis=0)
    loss_clustering = jnp.mean((h_x - r_x) ** 2)
    return loss_reconstr + LAMBDA_CL * loss_clustering

if __name__ == "__main__":
    import jax
    _d = setup_inputs()
    print(jax.jit(kernel)(*tuple(_d.values())))

</pallas_src>

<mosaic_0001>
#map = affine_map<(d0, d1) -> (0)>
#map1 = affine_map<(d0, d1) -> (0, 0)>
module attributes {stable_mosaic.version = 14 : i64} {
  func.func @_sc_recon(%arg0: i32, %arg1: i32, %arg2: memref<6291456xf32, #tpu.memory_space<hbm>>, %arg3: memref<6291456xf32, #tpu.memory_space<hbm>>, %arg4: memref<32x16xf32, #tpu.memory_space<hbm>>, %arg5: memref<12288xf32, #tpu.memory_space<vmem>>, %arg6: memref<12288xf32, #tpu.memory_space<vmem>>, %arg7: memref<16xf32, #tpu.memory_space<vmem>>, %arg8: memref<!tpu.dma_semaphore, #tpu.memory_space<semaphore_mem>>) attributes {dimension_semantics = [#tpu.dimension_semantics<core_parallel>, #tpu.dimension_semantics<subcore_parallel>], iteration_bounds = array<i64: 2, 16>, scalar_prefetch = 0 : i64, scratch_operands = 4 : i64, tpu.core_type = #tpu.core_type<sc_vector_subcore>, window_params = [{transform_indices = #map}, {transform_indices = #map}, {transform_indices = #map1}]} {
    %mul3A = arith.constant 2 : i32
    %mul3A_0 = arith.muli %arg1, %mul3A : i32
    %add3A = arith.addi %mul3A_0, %arg0 : i32
    %mul3A_1 = arith.constant 196608 : i32
    %mul3A_2 = arith.muli %add3A, %mul3A_1 : i32
    %broadcast_in_dim3A = arith.constant 0.000000e+00 : f32
    %broadcast_in_dim3A_3 = vector.broadcast %broadcast_in_dim3A : f32 to vector<16xf32>
    %scan3A = arith.constant 0 : i32
    %scan3A_4 = arith.constant 16 : i32
    %scan3A_5 = arith.addi %scan3A, %scan3A_4 : i32
    %scan3A_6 = arith.constant 1 : i32
    %scan3A_7 = scf.for %scan3A_12 = %scan3A to %scan3A_5 step %scan3A_6 iter_args(%scan3A_13 = %broadcast_in_dim3A_3) -> (vector<16xf32>)  : i32 {
      %mul3A_14 = arith.constant 12288 : i32
      %mul3A_15 = arith.muli %scan3A_12, %mul3A_14 : i32
      %add3A_16 = arith.addi %mul3A_2, %mul3A_15 : i32
      "tpu.region"() ({
        %run_scoped3A = tpu.sem_alloc : memref<!tpu.dma_semaphore, #tpu.memory_space<semaphore_mem>>
        %dma_start3A = tpu.memref_slice %arg2[%add3A_16] : memref<6291456xf32, #tpu.memory_space<hbm>> -> memref<12288xf32, #tpu.memory_space<hbm>>
        %dma_start3A_26 = tpu.memref_slice %arg2[%add3A_16] : memref<6291456xf32, #tpu.memory_space<hbm>> -> memref<12288xf32, #tpu.memory_space<hbm>>
        tpu.enqueue_dma source(%dma_start3A_26 : memref<12288xf32, #tpu.memory_space<hbm>>) target(%arg5 : memref<12288xf32, #tpu.memory_space<vmem>>) target_semaphore(%run_scoped3A : memref<!tpu.dma_semaphore, #tpu.memory_space<semaphore_mem>>)
        %dma_wait3A = tpu.memref_slice %arg2[%add3A_16] : memref<6291456xf32, #tpu.memory_space<hbm>> -> memref<12288xf32, #tpu.memory_space<hbm>>
        %dma_wait3A_27 = tpu.memref_slice %arg2[%add3A_16] : memref<6291456xf32, #tpu.memory_space<hbm>> -> memref<12288xf32, #tpu.memory_space<hbm>>
        tpu.wait_dma2 semaphore(%run_scoped3A : memref<!tpu.dma_semaphore, #tpu.memory_space<semaphore_mem>>) src(%dma_wait3A_27 : memref<12288xf32, #tpu.memory_space<hbm>>) dst(%arg5 : memref<12288xf32, #tpu.memory_space<vmem>>)
        tpu.yield
      }) : () -> ()
      %mul3A_17 = arith.constant 12288 : i32
      %mul3A_18 = arith.muli %scan3A_12, %mul3A_17 : i32
      %add3A_19 = arith.addi %mul3A_2, %mul3A_18 : i32
      "tpu.region"() ({
        %run_scoped3A = tpu.sem_alloc : memref<!tpu.dma_semaphore, #tpu.memory_space<semaphore_mem>>
        %dma_start3A = tpu.memref_slice %arg3[%add3A_19] : memref<6291456xf32, #tpu.memory_space<hbm>> -> memref<12288xf32, #tpu.memory_space<hbm>>
        %dma_start3A_26 = tpu.memref_slice %arg3[%add3A_19] : memref<6291456xf32, #tpu.memory_space<hbm>> -> memref<12288xf32, #tpu.memory_space<hbm>>
        tpu.enqueue_dma source(%dma_start3A_26 : memref<12288xf32, #tpu.memory_space<hbm>>) target(%arg6 : memref<12288xf32, #tpu.memory_space<vmem>>) target_semaphore(%run_scoped3A : memref<!tpu.dma_semaphore, #tpu.memory_space<semaphore_mem>>)
        %dma_wait3A = tpu.memref_slice %arg3[%add3A_19] : memref<6291456xf32, #tpu.memory_space<hbm>> -> memref<12288xf32, #tpu.memory_space<hbm>>
        %dma_wait3A_27 = tpu.memref_slice %arg3[%add3A_19] : memref<6291456xf32, #tpu.memory_space<hbm>> -> memref<12288xf32, #tpu.memory_space<hbm>>
        tpu.wait_dma2 semaphore(%run_scoped3A : memref<!tpu.dma_semaphore, #tpu.memory_space<semaphore_mem>>) src(%dma_wait3A_27 : memref<12288xf32, #tpu.memory_space<hbm>>) dst(%arg6 : memref<12288xf32, #tpu.memory_space<vmem>>)
        tpu.yield
      }) : () -> ()
      %scan3A_20 = arith.constant 0 : i32
      %scan3A_21 = arith.constant 768 : i32
      %scan3A_22 = arith.addi %scan3A_20, %scan3A_21 : i32
      %scan3A_23 = arith.constant 1 : i32
      %scan3A_24 = scf.for %scan3A_26 = %scan3A_20 to %scan3A_22 step %scan3A_23 iter_args(%scan3A_27 = %scan3A_13) -> (vector<16xf32>)  : i32 {
        %mul3A_28 = arith.constant 16 : i32
        %mul3A_29 = arith.muli %scan3A_26, %mul3A_28 : i32
        %get3A = arith.index_cast %mul3A_29 : i32 to index
        %get3A_30 = tpu.vector_load %arg5[%get3A] {strides = array<i32>} : memref<12288xf32, #tpu.memory_space<vmem>>, vector<16xf32>,
        %get3A_31 = vector.shape_cast %get3A_30 : vector<16xf32> to vector<16xf32>
        %mul3A_32 = arith.constant 16 : i32
        %mul3A_33 = arith.muli %scan3A_26, %mul3A_32 : i32
        %get3A_34 = arith.index_cast %mul3A_33 : i32 to index
        %get3A_35 = tpu.vector_load %arg6[%get3A_34] {strides = array<i32>} : memref<12288xf32, #tpu.memory_space<vmem>>, vector<16xf32>,
        %get3A_36 = vector.shape_cast %get3A_35 : vector<16xf32> to vector<16xf32>
        %sub3A = arith.subf %get3A_31, %get3A_36 : vector<16xf32>
        %mul3A_37 = arith.mulf %sub3A, %sub3A : vector<16xf32>
        %add3A_38 = arith.addf %scan3A_27, %mul3A_37 : vector<16xf32>
        scf.yield %add3A_38 : vector<16xf32>
      }
      %scan3A_25 = arith.constant 768 : i32
      scf.yield %scan3A_24 : vector<16xf32>
    }
    %scan3A_8 = arith.constant 16 : i32
    %swap3A = arith.constant 0 : index
    %swap3A_9 = tpu.vector_load %arg7[%swap3A] {strides = array<i32>} : memref<16xf32, #tpu.memory_space<vmem>>, vector<16xf32>,
    %swap3A_10 = vector.shape_cast %swap3A_9 : vector<16xf32> to vector<16xf32>
    %swap3A_11 = vector.shape_cast %scan3A_7 : vector<16xf32> to vector<16xf32>
    tpu.vector_store %arg7[%swap3A], %swap3A_11 {strides = array<i32>} : memref<16xf32, #tpu.memory_space<vmem>>, vector<16xf32>,
    "tpu.region"() ({
      %run_scoped3A = tpu.sem_alloc : memref<!tpu.dma_semaphore, #tpu.memory_space<semaphore_mem>>
      %dma_start3A = arith.constant 0 : i32
      %dma_start3A_12 = tpu.memref_slice %arg4[%add3A, %dma_start3A] : memref<32x16xf32, #tpu.memory_space<hbm>> -> memref<1x16xf32, #tpu.memory_space<hbm>>
      %dma_start3A_13 = tpu.memref_squeeze %dma_start3A_12 : memref<1x16xf32, #tpu.memory_space<hbm>> -> memref<16xf32, #tpu.memory_space<hbm>>
      %dma_start3A_14 = arith.constant 0 : i32
      %dma_start3A_15 = tpu.memref_slice %arg4[%add3A, %dma_start3A_14] : memref<32x16xf32, #tpu.memory_space<hbm>> -> memref<1x16xf32, #tpu.memory_space<hbm>>
      %dma_start3A_16 = tpu.memref_squeeze %dma_start3A_15 : memref<1x16xf32, #tpu.memory_space<hbm>> -> memref<16xf32, #tpu.memory_space<hbm>>
      tpu.enqueue_dma source(%arg7 : memref<16xf32, #tpu.memory_space<vmem>>) target(%dma_start3A_16 : memref<16xf32, #tpu.memory_space<hbm>>) target_semaphore(%run_scoped3A : memref<!tpu.dma_semaphore, #tpu.memory_space<semaphore_mem>>)
      %dma_wait3A = arith.constant 0 : i32
      %dma_wait3A_17 = tpu.memref_slice %arg4[%add3A, %dma_wait3A] : memref<32x16xf32, #tpu.memory_space<hbm>> -> memref<1x16xf32, #tpu.memory_space<hbm>>
      %dma_wait3A_18 = tpu.memref_squeeze %dma_wait3A_17 : memref<1x16xf32, #tpu.memory_space<hbm>> -> memref<16xf32, #tpu.memory_space<hbm>>
      %dma_wait3A_19 = arith.constant 0 : i32
      %dma_wait3A_20 = tpu.memref_slice %arg4[%add3A, %dma_wait3A_19] : memref<32x16xf32, #tpu.memory_space<hbm>> -> memref<1x16xf32, #tpu.memory_space<hbm>>
      %dma_wait3A_21 = tpu.memref_squeeze %dma_wait3A_20 : memref<1x16xf32, #tpu.memory_space<hbm>> -> memref<16xf32, #tpu.memory_space<hbm>>
      tpu.wait_dma2 semaphore(%run_scoped3A : memref<!tpu.dma_semaphore, #tpu.memory_space<semaphore_mem>>) src(%arg7 : memref<16xf32, #tpu.memory_space<vmem>>) dst(%dma_wait3A_21 : memref<16xf32, #tpu.memory_space<hbm>>)
      tpu.yield
    }) : () -> ()
    return
  }
}

module attributes {stable_mosaic.version = 14 : i64} {
  func.func @_tc_body(%arg0: i32, %arg1: memref<512x256xf32, #tpu.memory_space<vmem>>, %arg2: memref<8192x256xf32, #tpu.memory_space<vmem>>, %arg3: memref<1x1xf32, #tpu.memory_space<vmem>>, %arg4: memref<1x8192xbf16, #tpu.memory_space<vmem>>, %arg5: memref<8192x256xbf16, #tpu.memory_space<vmem>>) attributes {dimension_semantics = [#tpu.dimension_semantics<arbitrary>], iteration_bounds = array<i64: 16>, scalar_prefetch = 0 : i64, scratch_operands = 2 : i64, tpu.core_type = #tpu.core_type<tc>, window_params = [{transform_indices = @transform_0, window_bounds = array<i64: 512, 256>}, {pipeline_mode = #tpu.pipeline_mode<synchronous>, transform_indices = @transform_1, window_bounds = array<i64: 8192, 256>}, {pipeline_mode = #tpu.pipeline_mode<synchronous>, transform_indices = @transform_2, window_bounds = array<i64: 1, 1>}]} {
    %eq3A = arith.constant 0 : i32
    %eq3A_0 = arith.cmpi eq, %arg0, %eq3A : i32
    %convert_element_type3A = arith.extui %eq3A_0 : i1 to i32
    %cond3A = arith.constant 0 : i32
    %cond3A_1 = arith.cmpi ne, %convert_element_type3A, %cond3A : i32
    scf.if %cond3A_1 {
      %get3A_479 = arith.constant 0 : index
      %get3A_480 = arith.constant 0 : index
      %get3A_481 = vector.load %arg2[%get3A_479, %get3A_480] : memref<8192x256xf32, #tpu.memory_space<vmem>>, vector<8192x256xf32>
      %mul3A_482 = arith.mulf %get3A_481, %get3A_481 : vector<8192x256xf32>
      %reduce_sum3A_483 = arith.constant dense<0.000000e+00> : vector<8192xf32>
      %reduce_sum3A_484 = vector.multi_reduction <add>, %mul3A_482, %reduce_sum3A_483 [1] : vector<8192x256xf32> to vector<8192xf32>
      %mul3A_485 = arith.constant 5.000000e-01 : f32
      %mul3A_486 = vector.broadcast %mul3A_485 : f32 to vector<8192xf32>
      %mul3A_487 = arith.mulf %mul3A_486, %reduce_sum3A_484 : vector<8192xf32>
      %reshape3A_488 = vector.shape_cast %mul3A_487 : vector<8192xf32> to vector<1x8192xf32>
      %convert_element_type3A_489 = arith.truncf %reshape3A_488 : vector<1x8192xf32> to vector<1x8192xbf16>
      %swap3A_490 = arith.constant 0 : index
      %swap3A_491 = arith.constant 0 : index
      %swap3A_492 = vector.load %arg4[%swap3A_490, %swap3A_491] : memref<1x8192xbf16, #tpu.memory_space<vmem>>, vector<1x8192xbf16>
      tpu.vector_store %arg4[%swap3A_490, %swap3A_491], %convert_element_type3A_489 {strides = array<i32>} : memref<1x8192xbf16, #tpu.memory_space<vmem>>, vector<1x8192xbf16>,
      %convert_element_type3A_493 = arith.truncf %get3A_481 : vector<8192x256xf32> to vector<8192x256xbf16>
      %swap3A_494 = arith.constant 0 : index
      %swap3A_495 = arith.constant 0 : index
      %swap3A_496 = vector.load %arg5[%swap3A_494, %swap3A_495] : memref<8192x256xbf16, #tpu.memory_space<vmem>>, vector<8192x256xbf16>
      tpu.vector_store %arg5[%swap3A_494, %swap3A_495], %convert_element_type3A_493 {strides = array<i32>} : memref<8192x256xbf16, #tpu.memory_space<vmem>>, vector<8192x256xbf16>,
    } else {
    }
    %get3A = arith.constant 0 : index
    %get3A_2 = arith.constant 0 : index
    %get3A_3 = vector.load %arg1[%get3A, %get3A_2] : memref<512x256xf32, #tpu.memory_space<vmem>>, vector<512x256xf32>
    %mul3A = arith.mulf %get3A_3, %get3A_3 : vector<512x256xf32>
    %reduce_sum3A = arith.constant dense<0.000000e+00> : vector<512xf32>
    %reduce_sum3A_4 = vector.multi_reduction <add>, %mul3A, %reduce_sum3A [1] : vector<512x256xf32> to vector<512xf32>
    %convert_element_type3A_5 = arith.truncf %get3A_3 : vector<512x256xf32> to vector<512x256xbf16>
    %get3A_6 = arith.constant 0 : index
    %get3A_7 = arith.constant 0 : index
    %get3A_8 = vector.load %arg5[%get3A_6, %get3A_7] : memref<8192x256xbf16, #tpu.memory_space<vmem>>, vector<8192x256xbf16>
    %dot_general3A = arith.constant dense<0.000000e+00> : vector<512x8192xf32>
    %dot_general3A_9 = tpu.matmul %convert_element_type3A_5, %get3A_8, %dot_general3A {dimension_numbers = #tpu.dot_dimension_numbers<[1], [1], [0], [0], [0, 0, 1, 0], [], []>, transpose_lhs_hint = false} : vector<512x256xbf16>, vector<8192x256xbf16>, vector<512x8192xf32> -> vector<512x8192xf32>
    %convert_element_type3A_10 = arith.truncf %dot_general3A_9 : vector<512x8192xf32> to vector<512x8192xbf16>
    %broadcast_in_dim3A = arith.constant 0xFF80 : bf16
    %broadcast_in_dim3A_11 = vector.broadcast %broadcast_in_dim3A : bf16 to vector<512x128xbf16>
    %slice3A = vector.extract_strided_slice %convert_element_type3A_10 {offsets = [0, 0], sizes = [512, 128], strides = [1, 1]} : vector<512x8192xbf16> to vector<512x128xbf16>
    %get3A_12 = arith.constant 0 : index
    %get3A_13 = arith.constant 0 : index
    %get3A_14 = vector.load %arg4[%get3A_12, %get3A_13] : memref<1x8192xbf16, #tpu.memory_space<vmem>>, vector<1x128xbf16>
    %sub3A = vector.broadcast %get3A_14 : vector<1x128xbf16> to vector<512x128xbf16>
    %sub3A_15 = arith.subf %slice3A, %sub3A : vector<512x128xbf16>
    %max3A = arith.maximumf %broadcast_in_dim3A_11, %sub3A_15 : vector<512x128xbf16>
    %slice3A_16 = vector.extract_strided_slice %convert_element_type3A_10 {offsets = [0, 128], sizes = [512, 128], strides = [1, 1]} : vector<512x8192xbf16> to vector<512x128xbf16>
    %get3A_17 = arith.constant 0 : index
    %get3A_18 = arith.constant 128 : index
    %get3A_19 = vector.load %arg4[%get3A_17, %get3A_18] : memref<1x8192xbf16, #tpu.memory_space<vmem>>, vector<1x128xbf16>
    %sub3A_20 = vector.broadcast %get3A_19 : vector<1x128xbf16> to vector<512x128xbf16>
    %sub3A_21 = arith.subf %slice3A_16, %sub3A_20 : vector<512x128xbf16>
    %max3A_22 = arith.maximumf %max3A, %sub3A_21 : vector<512x128xbf16>
    %slice3A_23 = vector.extract_strided_slice %convert_element_type3A_10 {offsets = [0, 256], sizes = [512, 128], strides = [1, 1]} : vector<512x8192xbf16> to vector<512x128xbf16>
    %get3A_24 = arith.constant 0 : index
    %get3A_25 = arith.constant 256 : index
    %get3A_26 = vector.load %arg4[%get3A_24, %get3A_25] : memref<1x8192xbf16, #tpu.memory_space<vmem>>, vector<1x128xbf16>
    %sub3A_27 = vector.broadcast %get3A_26 : vector<1x128xbf16> to vector<512x128xbf16>
    %sub3A_28 = arith.subf %slice3A_23, %sub3A_27 : vector<512x128xbf16>
    %max3A_29 = arith.maximumf %max3A_22, %sub3A_28 : vector<512x128xbf16>
    %slice3A_30 = vector.extract_strided_slice %convert_element_type3A_10 {offsets = [0, 384], sizes = [512, 128], strides = [1, 1]} : vector<512x8192xbf16> to vector<512x128xbf16>
    %get3A_31 = arith.constant 0 : index
    %get3A_32 = arith.constant 384 : index
    %get3A_33 = vector.load %arg4[%get3A_31, %get3A_32] : memref<1x8192xbf16, #tpu.memory_space<vmem>>, vector<1x128xbf16>
    %sub3A_34 = vector.broadcast %get3A_33 : vector<1x128xbf16> to vector<512x128xbf16>
    %sub3A_35 = arith.subf %slice3A_30, %sub3A_34 : vector<512x128xbf16>
    %max3A_36 = arith.maximumf %max3A_29, %sub3A_35 : vector<512x128xbf16>
    %slice3A_37 = vector.extract_strided_slice %convert_element_type3A_10 {offsets = [0, 512], sizes = [512, 128], strides = [1, 1]} : vector<512x8192xbf16> to vector<512x128xbf16>
    %get3A_38 = arith.constant 0 : index
    %get3A_39 = arith.constant 512 : index
    %get3A_40 = vector.load %arg4[%get3A_38, %get3A_39] : memref<1x8192xbf16, #tpu.memory_space<vmem>>, vector<1x128xbf16>
    %sub3A_41 = vector.broadcast %get3A_40 : vector<1x128xbf16> to vector<512x128xbf16>
    %sub3A_42 = arith.subf %slice3A_37, %sub3A_41 : vector<512x128xbf16>
    %max3A_43 = arith.maximumf %max3A_36, %sub3A_42 : vector<512x128xbf16>
    %slice3A_44 = vector.extract_strided_slice %convert_element_type3A_10 {offsets = [0, 640], sizes = [512, 128], strides = [1, 1]} : vector<512x8192xbf16> to vector<512x128xbf16>
    %get3A_45 = arith.constant 0 : index
    %get3A_46 = arith.constant 640 : index
    %get3A_47 = vector.load %arg4[%get3A_45, %get3A_46] : memref<1x8192xbf16, #tpu.memory_space<vmem>>, vector<1x128xbf16>
    %sub3A_48 = vector.broadcast %get3A_47 : vector<1x128xbf16> to vector<512x128xbf16>
    %sub3A_49 = arith.subf %slice3A_44, %sub3A_48 : vector<512x128xbf16>
    %max3A_50 = arith.maximumf %max3A_43, %sub3A_49 : vector<512x128xbf16>
    %slice3A_51 = vector.extract_strided_slice %convert_element_type3A_10 {offsets = [0, 768], sizes = [512, 128], strides = [1, 1]} : vector<512x8192xbf16> to vector<512x128xbf16>
    %get3A_52 = arith.constant 0 : index
    %get3A_53 = arith.constant 768 : index
    %get3A_54 = vector.load %arg4[%get3A_52, %get3A_53] : memref<1x8192xbf16, #tpu.memory_space<vmem>>, vector<1x128xbf16>
    %sub3A_55 = vector.broadcast %get3A_54 : vector<1x128xbf16> to vector<512x128xbf16>
    %sub3A_56 = arith.subf %slice3A_51, %sub3A_55 : vector<512x128xbf16>
    %max3A_57 = arith.maximumf %max3A_50, %sub3A_56 : vector<512x128xbf16>
    %slice3A_58 = vector.extract_strided_slice %convert_element_type3A_10 {offsets = [0, 896], sizes = [512, 128], strides = [1, 1]} : vector<512x8192xbf16> to vector<512x128xbf16>
    %get3A_59 = arith.constant 0 : index
    %get3A_60 = arith.constant 896 : index
    %get3A_61 = vector.load %arg4[%get3A_59, %get3A_60] : memref<1x8192xbf16, #tpu.memory_space<vmem>>, vector<1x128xbf16>
    %sub3A_62 = vector.broadcast %get3A_61 : vector<1x128xbf16> to vector<512x128xbf16>
    %sub3A_63 = arith.subf %slice3A_58, %sub3A_62 : vector<512x128xbf16>
    %max3A_64 = arith.maximumf %max3A_57, %sub3A_63 : vector<512x128xbf16>
    %slice3A_65 = vector.extract_strided_slice %convert_element_type3A_10 {offsets = [0, 1024], sizes = [512, 128], strides = [1, 1]} : vector<512x8192xbf16> to vector<512x128xbf16>
    %get3A_66 = arith.constant 0 : index
    %get3A_67 = arith.constant 1024 : index
    %get3A_68 = vector.load %arg4[%get3A_66, %get3A_67] : memref<1x8192xbf16, #tpu.memory_space<vmem>>, vector<1x128xbf16>
    %sub3A_69 = vector.broadcast %get3A_68 : vector<1x128xbf16> to vector<512x128xbf16>
    %sub3A_70 = arith.subf %slice3A_65, %sub3A_69 : vector<512x128xbf16>
    %max3A_71 = arith.maximumf %max3A_64, %sub3A_70 : vector<512x128xbf16>
    %slice3A_72 = vector.extract_strided_slice %convert_element_type3A_10 {offsets = [0, 1152], sizes = [512, 128], strides = [1, 1]} : vector<512x8192xbf16> to vector<512x128xbf16>
    %get3A_73 = arith.constant 0 : index
    %get3A_74 = arith.constant 1152 : index
    %get3A_75 = vector.load %arg4[%get3A_73, %get3A_74] : memref<1x8192xbf16, #tpu.memory_space<vmem>>, vector<1x128xbf16>
    %sub3A_76 = vector.broadcast %get3A_75 : vector<1x128xbf16> to vector<512x128xbf16>
    %sub3A_77 = arith.subf %slice3A_72, %sub3A_76 : vector<512x128xbf16>
    %max3A_78 = arith.maximumf %max3A_71, %sub3A_77 : vector<512x128xbf16>
    %slice3A_79 = vector.extract_strided_slice %convert_element_type3A_10 {offsets = [0, 1280], sizes = [512, 128], strides = [1, 1]} : vector<512x8192xbf16> to vector<512x128xbf16>
    %get3A_80 = arith.constant 0 : index
    %get3A_81 = arith.constant 1280 : index
    %get3A_82 = vector.load %arg4[%get3A_80, %get3A_81] : memref<1x8192xbf16, #tpu.memory_space<vmem>>, vector<1x128xbf16>
    %sub3A_83 = vector.broadcast %get3A_82 : vector<1x128xbf16> to vector<512x128xbf16>
    %sub3A_84 = arith.subf %slice3A_79, %sub3A_83 : vector<512x128xbf16>
    %max3A_85 = arith.maximumf %max3A_78, %sub3A_84 : vector<512x128xbf16>
    %slice3A_86 = vector.extract_strided_slice %convert_element_type3A_10 {offsets = [0, 1408], sizes = [512, 128], strides = [1, 1]} : vector<512x8192xbf16> to vector<512x128xbf16>
    %get3A_87 = arith.constant 0 : index
    %get3A_88 = arith.constant 1408 : index
    %get3A_89 = vector.load %arg4[%get3A_87, %get3A_88] : memref<1x8192xbf16, #tpu.memory_space<vmem>>, vector<1x128xbf16>
    %sub3A_90 = vector.broadcast %get3A_89 : vector<1x128xbf16> to vector<512x128xbf16>
    %sub3A_91 = arith.subf %slice3A_86, %sub3A_90 : vector<512x128xbf16>
    %max3A_92 = arith.maximumf %max3A_85, %sub3A_91 : vector<512x128xbf16>
    %slice3A_93 = vector.extract_strided_slice %convert_element_type3A_10 {offsets = [0, 1536], sizes = [512, 128], strides = [1, 1]} : vector<512x8192xbf16> to vector<512x128xbf16>
    %get3A_94 = arith.constant 0 : index
    %get3A_95 = arith.constant 1536 : index
    %get3A_96 = vector.load %arg4[%get3A_94, %get3A_95] : memref<1x8192xbf16, #tpu.memory_space<vmem>>, vector<1x128xbf16>
    %sub3A_97 = vector.broadcast %get3A_96 : vector<1x128xbf16> to vector<512x128xbf16>
    %sub3A_98 = arith.subf %slice3A_93, %sub3A_97 : vector<512x128xbf16>
    %max3A_99 = arith.maximumf %max3A_92, %sub3A_98 : vector<512x128xbf16>
    %slice3A_100 = vector.extract_strided_slice %convert_element_type3A_10 {offsets = [0, 1664], sizes = [512, 128], strides = [1, 1]} : vector<512x8192xbf16> to vector<512x128xbf16>
    %get3A_101 = arith.constant 0 : index
    %get3A_102 = arith.constant 1664 : index
    %get3A_103 = vector.load %arg4[%get3A_101, %get3A_102] : memref<1x8192xbf16, #tpu.memory_space<vmem>>, vector<1x128xbf16>
    %sub3A_104 = vector.broadcast %get3A_103 : vector<1x128xbf16> to vector<512x128xbf16>
    %sub3A_105 = arith.subf %slice3A_100, %sub3A_104 : vector<512x128xbf16>
    %max3A_106 = arith.maximumf %max3A_99, %sub3A_105 : vector<512x128xbf16>
    %slice3A_107 = vector.extract_strided_slice %convert_element_type3A_10 {offsets = [0, 1792], sizes = [512, 128], strides = [1, 1]} : vector<512x8192xbf16> to vector<512x128xbf16>
    %get3A_108 = arith.constant 0 : index
    %get3A_109 = arith.constant 1792 : index
    %get3A_110 = vector.load %arg4[%get3A_108, %get3A_109] : memref<1x8192xbf16, #tpu.memory_space<vmem>>, vector<1x128xbf16>
    %sub3A_111 = vector.broadcast %get3A_110 : vector<1x128xbf16> to vector<512x128xbf16>
    %sub3A_112 = arith.subf %slice3A_107, %sub3A_111 : vector<512x128xbf16>
    %max3A_113 = arith.maximumf %max3A_106, %sub3A_112 : vector<512x128xbf16>
    %slice3A_114 = vector.extract_strided_slice %convert_element_type3A_10 {offsets = [0, 1920], sizes = [512, 128], strides = [1, 1]} : vector<512x8192xbf16> to vector<512x128xbf16>
    %get3A_115 = arith.constant 0 : index
    %get3A_116 = arith.constant 1920 : index
    %get3A_117 = vector.load %arg4[%get3A_115, %get3A_116] : memref<1x8192xbf16, #tpu.memory_space<vmem>>, vector<1x128xbf16>
    %sub3A_118 = vector.broadcast %get3A_117 : vector<1x128xbf16> to vector<512x128xbf16>
    %sub3A_119 = arith.subf %slice3A_114, %sub3A_118 : vector<512x128xbf16>
    %max3A_120 = arith.maximumf %max3A_113, %sub3A_119 : vector<512x128xbf16>
    %slice3A_121 = vector.extract_strided_slice %convert_element_type3A_10 {offsets = [0, 2048], sizes = [512, 128], strides = [1, 1]} : vector<512x8192xbf16> to vector<512x128xbf16>
    %get3A_122 = arith.constant 0 : index
    %get3A_123 = arith.constant 2048 : index
    %get3A_124 = vector.load %arg4[%get3A_122, %get3A_123] : memref<1x8192xbf16, #tpu.memory_space<vmem>>, vector<1x128xbf16>
    %sub3A_125 = vector.broadcast %get3A_124 : vector<1x128xbf16> to vector<512x128xbf16>
    %sub3A_126 = arith.subf %slice3A_121, %sub3A_125 : vector<512x128xbf16>
    %max3A_127 = arith.maximumf %max3A_120, %sub3A_126 : vector<512x128xbf16>
    %slice3A_128 = vector.extract_strided_slice %convert_element_type3A_10 {offsets = [0, 2176], sizes = [512, 128], strides = [1, 1]} : vector<512x8192xbf16> to vector<512x128xbf16>
    %get3A_129 = arith.constant 0 : index
    %get3A_130 = arith.constant 2176 : index
    %get3A_131 = vector.load %arg4[%get3A_129, %get3A_130] : memref<1x8192xbf16, #tpu.memory_space<vmem>>, vector<1x128xbf16>
    %sub3A_132 = vector.broadcast %get3A_131 : vector<1x128xbf16> to vector<512x128xbf16>
    %sub3A_133 = arith.subf %slice3A_128, %sub3A_132 : vector<512x128xbf16>
    %max3A_134 = arith.maximumf %max3A_127, %sub3A_133 : vector<512x128xbf16>
    %slice3A_135 = vector.extract_strided_slice %convert_element_type3A_10 {offsets = [0, 2304], sizes = [512, 128], strides = [1, 1]} : vector<512x8192xbf16> to vector<512x128xbf16>
    %get3A_136 = arith.constant 0 : index
    %get3A_137 = arith.constant 2304 : index
    %get3A_138 = vector.load %arg4[%get3A_136, %get3A_137] : memref<1x8192xbf16, #tpu.memory_space<vmem>>, vector<1x128xbf16>
    %sub3A_139 = vector.broadcast %get3A_138 : vector<1x128xbf16> to vector<512x128xbf16>
    %sub3A_140 = arith.subf %slice3A_135, %sub3A_139 : vector<512x128xbf16>
    %max3A_141 = arith.maximumf %max3A_134, %sub3A_140 : vector<512x128xbf16>
    %slice3A_142 = vector.extract_strided_slice %convert_element_type3A_10 {offsets = [0, 2432], sizes = [512, 128], strides = [1, 1]} : vector<512x8192xbf16> to vector<512x128xbf16>
    %get3A_143 = arith.constant 0 : index
    %get3A_144 = arith.constant 2432 : index
    %get3A_145 = vector.load %arg4[%get3A_143, %get3A_144] : memref<1x8192xbf16, #tpu.memory_space<vmem>>, vector<1x128xbf16>
    %sub3A_146 = vector.broadcast %get3A_145 : vector<1x128xbf16> to vector<512x128xbf16>
    %sub3A_147 = arith.subf %slice3A_142, %sub3A_146 : vector<512x128xbf16>
    %max3A_148 = arith.maximumf %max3A_141, %sub3A_147 : vector<512x128xbf16>
    %slice3A_149 = vector.extract_strided_slice %convert_element_type3A_10 {offsets = [0, 2560], sizes = [512, 128], strides = [1, 1]} : vector<512x8192xbf16> to vector<512x128xbf16>
    %get3A_150 = arith.constant 0 : index
    %get3A_151 = arith.constant 2560 : index
    %get3A_152 = vector.load %arg4[%get3A_150, %get3A_151] : memref<1x8192xbf16, #tpu.memory_space<vmem>>, vector<1x128xbf16>
    %sub3A_153 = vector.broadcast %get3A_152 : vector<1x128xbf16> to vector<512x128xbf16>
    %sub3A_154 = arith.subf %slice3A_149, %sub3A_153 : vector<512x128xbf16>
    %max3A_155 = arith.maximumf %max3A_148, %sub3A_154 : vector<512x128xbf16>
    %slice3A_156 = vector.extract_strided_slice %convert_element_type3A_10 {offsets = [0, 2688], sizes = [512, 128], strides = [1, 1]} : vector<512x8192xbf16> to vector<512x128xbf16>
    %get3A_157 = arith.constant 0 : index
    %get3A_158 = arith.constant 2688 : index
    %get3A_159 = vector.load %arg4[%get3A_157, %get3A_158] : memref<1x8192xbf16, #tpu.memory_space<vmem>>, vector<1x128xbf16>
    %sub3A_160 = vector.broadcast %get3A_159 : vector<1x128xbf16> to vector<512x128xbf16>
    %sub3A_161 = arith.subf %slice3A_156, %sub3A_160 : vector<512x128xbf16>
    %max3A_162 = arith.maximumf %max3A_155, %sub3A_161 : vector<512x128xbf16>
    %slice3A_163 = vector.extract_strided_slice %convert_element_type3A_10 {offsets = [0, 2816], sizes = [512, 128], strides = [1, 1]} : vector<512x8192xbf16> to vector<512x128xbf16>
    %get3A_164 = arith.constant 0 : index
    %get3A_165 = arith.constant 2816 : index
    %get3A_166 = vector.load %arg4[%get3A_164, %get3A_165] : memref<1x8192xbf16, #tpu.memory_space<vmem>>, vector<1x128xbf16>
    %sub3A_167 = vector.broadcast %get3A_166 : vector<1x128xbf16> to vector<512x128xbf16>
    %sub3A_168 = arith.subf %slice3A_163, %sub3A_167 : vector<512x128xbf16>
    %max3A_169 = arith.maximumf %max3A_162, %sub3A_168 : vector<512x128xbf16>
    %slice3A_170 = vector.extract_strided_slice %convert_element_type3A_10 {offsets = [0, 2944], sizes = [512, 128], strides = [1, 1]} : vector<512x8192xbf16> to vector<512x128xbf16>
    %get3A_171 = arith.constant 0 : index
    %get3A_172 = arith.constant 2944 : index
    %get3A_173 = vector.load %arg4[%get3A_171, %get3A_172] : memref<1x8192xbf16, #tpu.memory_space<vmem>>, vector<1x128xbf16>
    %sub3A_174 = vector.broadcast %get3A_173 : vector<1x128xbf16> to vector<512x128xbf16>
    %sub3A_175 = arith.subf %slice3A_170, %sub3A_174 : vector<512x128xbf16>
    %max3A_176 = arith.maximumf %max3A_169, %sub3A_175 : vector<512x128xbf16>
    %slice3A_177 = vector.extract_strided_slice %convert_element_type3A_10 {offsets = [0, 3072], sizes = [512, 128], strides = [1, 1]} : vector<512x8192xbf16> to vector<512x128xbf16>
    %get3A_178 = arith.constant 0 : index
    %get3A_179 = arith.constant 3072 : index
    %get3A_180 = vector.load %arg4[%get3A_178, %get3A_179] : memref<1x8192xbf16, #tpu.memory_space<vmem>>, vector<1x128xbf16>
    %sub3A_181 = vector.broadcast %get3A_180 : vector<1x128xbf16> to vector<512x128xbf16>
    %sub3A_182 = arith.subf %slice3A_177, %sub3A_181 : vector<512x128xbf16>
    %max3A_183 = arith.maximumf %max3A_176, %sub3A_182 : vector<512x128xbf16>
    %slice3A_184 = vector.extract_strided_slice %convert_element_type3A_10 {offsets = [0, 3200], sizes = [512, 128], strides = [1, 1]} : vector<512x8192xbf16> to vector<512x128xbf16>
    %get3A_185 = arith.constant 0 : index
    %get3A_186 = arith.constant 3200 : index
    %get3A_187 = vector.load %arg4[%get3A_185, %get3A_186] : memref<1x8192xbf16, #tpu.memory_space<vmem>>, vector<1x128xbf16>
    %sub3A_188 = vector.broadcast %get3A_187 : vector<1x128xbf16> to vector<512x128xbf16>
    %sub3A_189 = arith.subf %slice3A_184, %sub3A_188 : vector<512x128xbf16>
    %max3A_190 = arith.maximumf %max3A_183, %sub3A_189 : vector<512x128xbf16>
    %slice3A_191 = vector.extract_strided_slice %convert_element_type3A_10 {offsets = [0, 3328], sizes = [512, 128], strides = [1, 1]} : vector<512x8192xbf16> to vector<512x128xbf16>
    %get3A_192 = arith.constant 0 : index
    %get3A_193 = arith.constant 3328 : index
    %get3A_194 = vector.load %arg4[%get3A_192, %get3A_193] : memref<1x8192xbf16, #tpu.memory_space<vmem>>, vector<1x128xbf16>
    %sub3A_195 = vector.broadcast %get3A_194 : vector<1x128xbf16> to vector<512x128xbf16>
    %sub3A_196 = arith.subf %slice3A_191, %sub3A_195 : vector<512x128xbf16>
    %max3A_197 = arith.maximumf %max3A_190, %sub3A_196 : vector<512x128xbf16>
    %slice3A_198 = vector.extract_strided_slice %convert_element_type3A_10 {offsets = [0, 3456], sizes = [512, 128], strides = [1, 1]} : vector<512x8192xbf16> to vector<512x128xbf16>
    %get3A_199 = arith.constant 0 : index
    %get3A_200 = arith.constant 3456 : index
    %get3A_201 = vector.load %arg4[%get3A_199, %get3A_200] : memref<1x8192xbf16, #tpu.memory_space<vmem>>, vector<1x128xbf16>
    %sub3A_202 = vector.broadcast %get3A_201 : vector<1x128xbf16> to vector<512x128xbf16>
    %sub3A_203 = arith.subf %slice3A_198, %sub3A_202 : vector<512x128xbf16>
    %max3A_204 = arith.maximumf %max3A_197, %sub3A_203 : vector<512x128xbf16>
    %slice3A_205 = vector.extract_strided_slice %convert_element_type3A_10 {offsets = [0, 3584], sizes = [512, 128], strides = [1, 1]} : vector<512x8192xbf16> to vector<512x128xbf16>
    %get3A_206 = arith.constant 0 : index
    %get3A_207 = arith.constant 3584 : index
    %get3A_208 = vector.load %arg4[%get3A_206, %get3A_207] : memref<1x8192xbf16, #tpu.memory_space<vmem>>, vector<1x128xbf16>
    %sub3A_209 = vector.broadcast %get3A_208 : vector<1x128xbf16> to vector<512x128xbf16>
    %sub3A_210 = arith.subf %slice3A_205, %sub3A_209 : vector<512x128xbf16>
    %max3A_211 = arith.maximumf %max3A_204, %sub3A_210 : vector<512x128xbf16>
    %slice3A_212 = vector.extract_strided_slice %convert_element_type3A_10 {offsets = [0, 3712], sizes = [512, 128], strides = [1, 1]} : vector<512x8192xbf16> to vector<512x128xbf16>
    %get3A_213 = arith.constant 0 : index
    %get3A_214 = arith.constant 3712 : index
    %get3A_215 = vector.load %arg4[%get3A_213, %get3A_214] : memref<1x8192xbf16, #tpu.memory_space<vmem>>, vector<1x128xbf16>
    %sub3A_216 = vector.broadcast %get3A_215 : vector<1x128xbf16> to vector<512x128xbf16>
    %sub3A_217 = arith.subf %slice3A_212, %sub3A_216 : vector<512x128xbf16>
    %max3A_218 = arith.maximumf %max3A_211, %sub3A_217 : vector<512x128xbf16>
    %slice3A_219 = vector.extract_strided_slice %convert_element_type3A_10 {offsets = [0, 3840], sizes = [512, 128], strides = [1, 1]} : vector<512x8192xbf16> to vector<512x128xbf16>
    %get3A_220 = arith.constant 0 : index
    %get3A_221 = arith.constant 3840 : index
    %get3A_222 = vector.load %arg4[%get3A_220, %get3A_221] : memref<1x8192xbf16, #tpu.memory_space<vmem>>, vector<1x128xbf16>
    %sub3A_223 = vector.broadcast %get3A_222 : vector<1x128xbf16> to vector<512x128xbf16>
    %sub3A_224 = arith.subf %slice3A_219, %sub3A_223 : vector<512x128xbf16>
    %max3A_225 = arith.maximumf %max3A_218, %sub3A_224 : vector<512x128xbf16>
    %slice3A_226 = vector.extract_strided_slice %convert_element_type3A_10 {offsets = [0, 3968], sizes = [512, 128], strides = [1, 1]} : vector<512x8192xbf16> to vector<512x128xbf16>
    %get3A_227 = arith.constant 0 : index
    %get3A_228 = arith.constant 3968 : index
    %get3A_229 = vector.load %arg4[%get3A_227, %get3A_228] : memref<1x8192xbf16, #tpu.memory_space<vmem>>, vector<1x128xbf16>
    %sub3A_230 = vector.broadcast %get3A_229 : vector<1x128xbf16> to vector<512x128xbf16>
    %sub3A_231 = arith.subf %slice3A_226, %sub3A_230 : vector<512x128xbf16>
    %max3A_232 = arith.maximumf %max3A_225, %sub3A_231 : vector<512x128xbf16>
    %slice3A_233 = vector.extract_strided_slice %convert_element_type3A_10 {offsets = [0, 4096], sizes = [512, 128], strides = [1, 1]} : vector<512x8192xbf16> to vector<512x128xbf16>
    %get3A_234 = arith.constant 0 : index
    %get3A_235 = arith.constant 4096 : index
    %get3A_236 = vector.load %arg4[%get3A_234, %get3A_235] : memref<1x8192xbf16, #tpu.memory_space<vmem>>, vector<1x128xbf16>
    %sub3A_237 = vector.broadcast %get3A_236 : vector<1x128xbf16> to vector<512x128xbf16>
    %sub3A_238 = arith.subf %slice3A_233, %sub3A_237 : vector<512x128xbf16>
    %max3A_239 = arith.maximumf %max3A_232, %sub3A_238 : vector<512x128xbf16>
    %slice3A_240 = vector.extract_strided_slice %convert_element_type3A_10 {offsets = [0, 4224], sizes = [512, 128], strides = [1, 1]} : vector<512x8192xbf16> to vector<512x128xbf16>
    %get3A_241 = arith.constant 0 : index
    %get3A_242 = arith.constant 4224 : index
    %get3A_243 = vector.load %arg4[%get3A_241, %get3A_242] : memref<1x8192xbf16, #tpu.memory_space<vmem>>, vector<1x128xbf16>
    %sub3A_244 = vector.broadcast %get3A_243 : vector<1x128xbf16> to vector<512x128xbf16>
    %sub3A_245 = arith.subf %slice3A_240, %sub3A_244 : vector<512x128xbf16>
    %max3A_246 = arith.maximumf %max3A_239, %sub3A_245 : vector<512x128xbf16>
    %slice3A_247 = vector.extract_strided_slice %convert_element_type3A_10 {offsets = [0, 4352], sizes = [512, 128], strides = [1, 1]} : vector<512x8192xbf16> to vector<512x128xbf16>
    %get3A_248 = arith.constant 0 : index
    %get3A_249 = arith.constant 4352 : index
    %get3A_250 = vector.load %arg4[%get3A_248, %get3A_249] : memref<1x8192xbf16, #tpu.memory_space<vmem>>, vector<1x128xbf16>
    %sub3A_251 = vector.broadcast %get3A_250 : vector<1x128xbf16> to vector<512x128xbf16>
    %sub3A_252 = arith.subf %slice3A_247, %sub3A_251 : vector<512x128xbf16>
    %max3A_253 = arith.maximumf %max3A_246, %sub3A_252 : vector<512x128xbf16>
    %slice3A_254 = vector.extract_strided_slice %convert_element_type3A_10 {offsets = [0, 4480], sizes = [512, 128], strides = [1, 1]} : vector<512x8192xbf16> to vector<512x128xbf16>
    %get3A_255 = arith.constant 0 : index
    %get3A_256 = arith.constant 4480 : index
    %get3A_257 = vector.load %arg4[%get3A_255, %get3A_256] : memref<1x8192xbf16, #tpu.memory_space<vmem>>, vector<1x128xbf16>
    %sub3A_258 = vector.broadcast %get3A_257 : vector<1x128xbf16> to vector<512x128xbf16>
    %sub3A_259 = arith.subf %slice3A_254, %sub3A_258 : vector<512x128xbf16>
    %max3A_260 = arith.maximumf %max3A_253, %sub3A_259 : vector<512x128xbf16>
    %slice3A_261 = vector.extract_strided_slice %convert_element_type3A_10 {offsets = [0, 4608], sizes = [512, 128], strides = [1, 1]} : vector<512x8192xbf16> to vector<512x128xbf16>
    %get3A_262 = arith.constant 0 : index
    %get3A_263 = arith.constant 4608 : index
    %get3A_264 = vector.load %arg4[%get3A_262, %get3A_263] : memref<1x8192xbf16, #tpu.memory_space<vmem>>, vector<1x128xbf16>
    %sub3A_265 = vector.broadcast %get3A_264 : vector<1x128xbf16> to vector<512x128xbf16>
    %sub3A_266 = arith.subf %slice3A_261, %sub3A_265 : vector<512x128xbf16>
    %max3A_267 = arith.maximumf %max3A_260, %sub3A_266 : vector<512x128xbf16>
    %slice3A_268 = vector.extract_strided_slice %convert_element_type3A_10 {offsets = [0, 4736], sizes = [512, 128], strides = [1, 1]} : vector<512x8192xbf16> to vector<512x128xbf16>
    %get3A_269 = arith.constant 0 : index
    %get3A_270 = arith.constant 4736 : index
    %get3A_271 = vector.load %arg4[%get3A_269, %get3A_270] : memref<1x8192xbf16, #tpu.memory_space<vmem>>, vector<1x128xbf16>
    %sub3A_272 = vector.broadcast %get3A_271 : vector<1x128xbf16> to vector<512x128xbf16>
    %sub3A_273 = arith.subf %slice3A_268, %sub3A_272 : vector<512x128xbf16>
    %max3A_274 = arith.maximumf %max3A_267, %sub3A_273 : vector<512x128xbf16>
    %slice3A_275 = vector.extract_strided_slice %convert_element_type3A_10 {offsets = [0, 4864], sizes = [512, 128], strides = [1, 1]} : vector<512x8192xbf16> to vector<512x128xbf16>
    %get3A_276 = arith.constant 0 : index
    %get3A_277 = arith.constant 4864 : index
    %get3A_278 = vector.load %arg4[%get3A_276, %get3A_277] : memref<1x8192xbf16, #tpu.memory_space<vmem>>, vector<1x128xbf16>
    %sub3A_279 = vector.broadcast %get3A_278 : vector<1x128xbf16> to vector<512x128xbf16>
    %sub3A_280 = arith.subf %slice3A_275, %sub3A_279 : vector<512x128xbf16>
    %max3A_281 = arith.maximumf %max3A_274, %sub3A_280 : vector<512x128xbf16>
    %slice3A_282 = vector.extract_strided_slice %convert_element_type3A_10 {offsets = [0, 4992], sizes = [512, 128], strides = [1, 1]} : vector<512x8192xbf16> to vector<512x128xbf16>
    %get3A_283 = arith.constant 0 : index
    %get3A_284 = arith.constant 4992 : index
    %get3A_285 = vector.load %arg4[%get3A_283, %get3A_284] : memref<1x8192xbf16, #tpu.memory_space<vmem>>, vector<1x128xbf16>
    %sub3A_286 = vector.broadcast %get3A_285 : vector<1x128xbf16> to vector<512x128xbf16>
    %sub3A_287 = arith.subf %slice3A_282, %sub3A_286 : vector<512x128xbf16>
    %max3A_288 = arith.maximumf %max3A_281, %sub3A_287 : vector<512x128xbf16>
    %slice3A_289 = vector.extract_strided_slice %convert_element_type3A_10 {offsets = [0, 5120], sizes = [512, 128], strides = [1, 1]} : vector<512x8192xbf16> to vector<512x128xbf16>
    %get3A_290 = arith.constant 0 : index
    %get3A_291 = arith.constant 5120 : index
    %get3A_292 = vector.load %arg4[%get3A_290, %get3A_291] : memref<1x8192xbf16, #tpu.memory_space<vmem>>, vector<1x128xbf16>
    %sub3A_293 = vector.broadcast %get3A_292 : vector<1x128xbf16> to vector<512x128xbf16>
    %sub3A_294 = arith.subf %slice3A_289, %sub3A_293 : vector<512x128xbf16>
    %max3A_295 = arith.maximumf %max3A_288, %sub3A_294 : vector<512x128xbf16>
    %slice3A_296 = vector.extract_strided_slice %convert_element_type3A_10 {offsets = [0, 5248], sizes = [512, 128], strides = [1, 1]} : vector<512x8192xbf16> to vector<512x128xbf16>
    %get3A_297 = arith.constant 0 : index
    %get3A_298 = arith.constant 5248 : index
    %get3A_299 = vector.load %arg4[%get3A_297, %get3A_298] : memref<1x8192xbf16, #tpu.memory_space<vmem>>, vector<1x128xbf16>
    %sub3A_300 = vector.broadcast %get3A_299 : vector<1x128xbf16> to vector<512x128xbf16>
    %sub3A_301 = arith.subf %slice3A_296, %sub3A_300 : vector<512x128xbf16>
    %max3A_302 = arith.maximumf %max3A_295, %sub3A_301 : vector<512x128xbf16>
    %slice3A_303 = vector.extract_strided_slice %convert_element_type3A_10 {offsets = [0, 5376], sizes = [512, 128], strides = [1, 1]} : vector<512x8192xbf16> to vector<512x128xbf16>
    %get3A_304 = arith.constant 0 : index
    %get3A_305 = arith.constant 5376 : index
    %get3A_306 = vector.load %arg4[%get3A_304, %get3A_305] : memref<1x8192xbf16, #tpu.memory_space<vmem>>, vector<1x128xbf16>
    %sub3A_307 = vector.broadcast %get3A_306 : vector<1x128xbf16> to vector<512x128xbf16>
    %sub3A_308 = arith.subf %slice3A_303, %sub3A_307 : vector<512x128xbf16>
    %max3A_309 = arith.maximumf %max3A_302, %sub3A_308 : vector<512x128xbf16>
    %slice3A_310 = vector.extract_strided_slice %convert_element_type3A_10 {offsets = [0, 5504], sizes = [512, 128], strides = [1, 1]} : vector<512x8192xbf16> to vector<512x128xbf16>
    %get3A_311 = arith.constant 0 : index
    %get3A_312 = arith.constant 5504 : index
    %get3A_313 = vector.load %arg4[%get3A_311, %get3A_312] : memref<1x8192xbf16, #tpu.memory_space<vmem>>, vector<1x128xbf16>
    %sub3A_314 = vector.broadcast %get3A_313 : vector<1x128xbf16> to vector<512x128xbf16>
    %sub3A_315 = arith.subf %slice3A_310, %sub3A_314 : vector<512x128xbf16>
    %max3A_316 = arith.maximumf %max3A_309, %sub3A_315 : vector<512x128xbf16>
    %slice3A_317 = vector.extract_strided_slice %convert_element_type3A_10 {offsets = [0, 5632], sizes = [512, 128], strides = [1, 1]} : vector<512x8192xbf16> to vector<512x128xbf16>
    %get3A_318 = arith.constant 0 : index
    %get3A_319 = arith.constant 5632 : index
    %get3A_320 = vector.load %arg4[%get3A_318, %get3A_319] : memref<1x8192xbf16, #tpu.memory_space<vmem>>, vector<1x128xbf16>
    %sub3A_321 = vector.broadcast %get3A_320 : vector<1x128xbf16> to vector<512x128xbf16>
    %sub3A_322 = arith.subf %slice3A_317, %sub3A_321 : vector<512x128xbf16>
    %max3A_323 = arith.maximumf %max3A_316, %sub3A_322 : vector<512x128xbf16>
    %slice3A_324 = vector.extract_strided_slice %convert_element_type3A_10 {offsets = [0, 5760], sizes = [512, 128], strides = [1, 1]} : vector<512x8192xbf16> to vector<512x128xbf16>
    %get3A_325 = arith.constant 0 : index
    %get3A_326 = arith.constant 5760 : index
    %get3A_327 = vector.load %arg4[%get3A_325, %get3A_326] : memref<1x8192xbf16, #tpu.memory_space<vmem>>, vector<1x128xbf16>
    %sub3A_328 = vector.broadcast %get3A_327 : vector<1x128xbf16> to vector<512x128xbf16>
    %sub3A_329 = arith.subf %slice3A_324, %sub3A_328 : vector<512x128xbf16>
    %max3A_330 = arith.maximumf %max3A_323, %sub3A_329 : vector<512x128xbf16>
    %slice3A_331 = vector.extract_strided_slice %convert_element_type3A_10 {offsets = [0, 5888], sizes = [512, 128], strides = [1, 1]} : vector<512x8192xbf16> to vector<512x128xbf16>
    %get3A_332 = arith.constant 0 : index
    %get3A_333 = arith.constant 5888 : index
    %get3A_334 = vector.load %arg4[%get3A_332, %get3A_333] : memref<1x8192xbf16, #tpu.memory_space<vmem>>, vector<1x128xbf16>
    %sub3A_335 = vector.broadcast %get3A_334 : vector<1x128xbf16> to vector<512x128xbf16>
    %sub3A_336 = arith.subf %slice3A_331, %sub3A_335 : vector<512x128xbf16>
    %max3A_337 = arith.maximumf %max3A_330, %sub3A_336 : vector<512x128xbf16>
    %slice3A_338 = vector.extract_strided_slice %convert_element_type3A_10 {offsets = [0, 6016], sizes = [512, 128], strides = [1, 1]} : vector<512x8192xbf16> to vector<512x128xbf16>
    %get3A_339 = arith.constant 0 : index
    %get3A_340 = arith.constant 6016 : index
    %get3A_341 = vector.load %arg4[%get3A_339, %get3A_340] : memref<1x8192xbf16, #tpu.memory_space<vmem>>, vector<1x128xbf16>
    %sub3A_342 = vector.broadcast %get3A_341 : vector<1x128xbf16> to vector<512x128xbf16>
    %sub3A_343 = arith.subf %slice3A_338, %sub3A_342 : vector<512x128xbf16>
    %max3A_344 = arith.maximumf %max3A_337, %sub3A_343 : vector<512x128xbf16>
    %slice3A_345 = vector.extract_strided_slice %convert_element_type3A_10 {offsets = [0, 6144], sizes = [512, 128], strides = [1, 1]} : vector<512x8192xbf16> to vector<512x128xbf16>
    %get3A_346 = arith.constant 0 : index
    %get3A_347 = arith.constant 6144 : index
    %get3A_348 = vector.load %arg4[%get3A_346, %get3A_347] : memref<1x8192xbf16, #tpu.memory_space<vmem>>, vector<1x128xbf16>
    %sub3A_349 = vector.broadcast %get3A_348 : vector<1x128xbf16> to vector<512x128xbf16>
    %sub3A_350 = arith.subf %slice3A_345, %sub3A_349 : vector<512x128xbf16>
    %max3A_351 = arith.maximumf %max3A_344, %sub3A_350 : vector<512x128xbf16>
    %slice3A_352 = vector.extract_strided_slice %convert_element_type3A_10 {offsets = [0, 6272], sizes = [512, 128], strides = [1, 1]} : vector<512x8192xbf16> to vector<512x128xbf16>
    %get3A_353 = arith.constant 0 : index
    %get3A_354 = arith.constant 6272 : index
    %get3A_355 = vector.load %arg4[%get3A_353, %get3A_354] : memref<1x8192xbf16, #tpu.memory_space<vmem>>, vector<1x128xbf16>
    %sub3A_356 = vector.broadcast %get3A_355 : vector<1x128xbf16> to vector<512x128xbf16>
    %sub3A_357 = arith.subf %slice3A_352, %sub3A_356 : vector<512x128xbf16>
    %max3A_358 = arith.maximumf %max3A_351, %sub3A_357 : vector<512x128xbf16>
    %slice3A_359 = vector.extract_strided_slice %convert_element_type3A_10 {offsets = [0, 6400], sizes = [512, 128], strides = [1, 1]} : vector<512x8192xbf16> to vector<512x128xbf16>
    %get3A_360 = arith.constant 0 : index
    %get3A_361 = arith.constant 6400 : index
    %get3A_362 = vector.load %arg4[%get3A_360, %get3A_361] : memref<1x8192xbf16, #tpu.memory_space<vmem>>, vector<1x128xbf16>
    %sub3A_363 = vector.broadcast %get3A_362 : vector<1x128xbf16> to vector<512x128xbf16>
    %sub3A_364 = arith.subf %slice3A_359, %sub3A_363 : vector<512x128xbf16>
    %max3A_365 = arith.maximumf %max3A_358, %sub3A_364 : vector<512x128xbf16>
    %slice3A_366 = vector.extract_strided_slice %convert_element_type3A_10 {offsets = [0, 6528], sizes = [512, 128], strides = [1, 1]} : vector<512x8192xbf16> to vector<512x128xbf16>
    %get3A_367 = arith.constant 0 : index
    %get3A_368 = arith.constant 6528 : index
    %get3A_369 = vector.load %arg4[%get3A_367, %get3A_368] : memref<1x8192xbf16, #tpu.memory_space<vmem>>, vector<1x128xbf16>
    %sub3A_370 = vector.broadcast %get3A_369 : vector<1x128xbf16> to vector<512x128xbf16>
    %sub3A_371 = arith.subf %slice3A_366, %sub3A_370 : vector<512x128xbf16>
    %max3A_372 = arith.maximumf %max3A_365, %sub3A_371 : vector<512x128xbf16>
    %slice3A_373 = vector.extract_strided_slice %convert_element_type3A_10 {offsets = [0, 6656], sizes = [512, 128], strides = [1, 1]} : vector<512x8192xbf16> to vector<512x128xbf16>
    %get3A_374 = arith.constant 0 : index
    %get3A_375 = arith.constant 6656 : index
    %get3A_376 = vector.load %arg4[%get3A_374, %get3A_375] : memref<1x8192xbf16, #tpu.memory_space<vmem>>, vector<1x128xbf16>
    %sub3A_377 = vector.broadcast %get3A_376 : vector<1x128xbf16> to vector<512x128xbf16>
    %sub3A_378 = arith.subf %slice3A_373, %sub3A_377 : vector<512x128xbf16>
    %max3A_379 = arith.maximumf %max3A_372, %sub3A_378 : vector<512x128xbf16>
    %slice3A_380 = vector.extract_strided_slice %convert_element_type3A_10 {offsets = [0, 6784], sizes = [512, 128], strides = [1, 1]} : vector<512x8192xbf16> to vector<512x128xbf16>
    %get3A_381 = arith.constant 0 : index
    %get3A_382 = arith.constant 6784 : index
    %get3A_383 = vector.load %arg4[%get3A_381, %get3A_382] : memref<1x8192xbf16, #tpu.memory_space<vmem>>, vector<1x128xbf16>
    %sub3A_384 = vector.broadcast %get3A_383 : vector<1x128xbf16> to vector<512x128xbf16>
    %sub3A_385 = arith.subf %slice3A_380, %sub3A_384 : vector<512x128xbf16>
    %max3A_386 = arith.maximumf %max3A_379, %sub3A_385 : vector<512x128xbf16>
    %slice3A_387 = vector.extract_strided_slice %convert_element_type3A_10 {offsets = [0, 6912], sizes = [512, 128], strides = [1, 1]} : vector<512x8192xbf16> to vector<512x128xbf16>
    %get3A_388 = arith.constant 0 : index
    %get3A_389 = arith.constant 6912 : index
    %get3A_390 = vector.load %arg4[%get3A_388, %get3A_389] : memref<1x8192xbf16, #tpu.memory_space<vmem>>, vector<1x128xbf16>
    %sub3A_391 = vector.broadcast %get3A_390 : vector<1x128xbf16> to vector<512x128xbf16>
    %sub3A_392 = arith.subf %slice3A_387, %sub3A_391 : vector<512x128xbf16>
    %max3A_393 = arith.maximumf %max3A_386, %sub3A_392 : vector<512x128xbf16>
    %slice3A_394 = vector.extract_strided_slice %convert_element_type3A_10 {offsets = [0, 7040], sizes = [512, 128], strides = [1, 1]} : vector<512x8192xbf16> to vector<512x128xbf16>
    %get3A_395 = arith.constant 0 : index
    %get3A_396 = arith.constant 7040 : index
    %get3A_397 = vector.load %arg4[%get3A_395, %get3A_396] : memref<1x8192xbf16, #tpu.memory_space<vmem>>, vector<1x128xbf16>
    %sub3A_398 = vector.broadcast %get3A_397 : vector<1x128xbf16> to vector<512x128xbf16>
    %sub3A_399 = arith.subf %slice3A_394, %sub3A_398 : vector<512x128xbf16>
    %max3A_400 = arith.maximumf %max3A_393, %sub3A_399 : vector<512x128xbf16>
    %slice3A_401 = vector.extract_strided_slice %convert_element_type3A_10 {offsets = [0, 7168], sizes = [512, 128], strides = [1, 1]} : vector<512x8192xbf16> to vector<512x128xbf16>
    %get3A_402 = arith.constant 0 : index
    %get3A_403 = arith.constant 7168 : index
    %get3A_404 = vector.load %arg4[%get3A_402, %get3A_403] : memref<1x8192xbf16, #tpu.memory_space<vmem>>, vector<1x128xbf16>
    %sub3A_405 = vector.broadcast %get3A_404 : vector<1x128xbf16> to vector<512x128xbf16>
    %sub3A_406 = arith.subf %slice3A_401, %sub3A_405 : vector<512x128xbf16>
    %max3A_407 = arith.maximumf %max3A_400, %sub3A_406 : vector<512x128xbf16>
    %slice3A_408 = vector.extract_strided_slice %convert_element_type3A_10 {offsets = [0, 7296], sizes = [512, 128], strides = [1, 1]} : vector<512x8192xbf16> to vector<512x128xbf16>
    %get3A_409 = arith.constant 0 : index
    %get3A_410 = arith.constant 7296 : index
    %get3A_411 = vector.load %arg4[%get3A_409, %get3A_410] : memref<1x8192xbf16, #tpu.memory_space<vmem>>, vector<1x128xbf16>
    %sub3A_412 = vector.broadcast %get3A_411 : vector<1x128xbf16> to vector<512x128xbf16>
    %sub3A_413 = arith.subf %slice3A_408, %sub3A_412 : vector<512x128xbf16>
    %max3A_414 = arith.maximumf %max3A_407, %sub3A_413 : vector<512x128xbf16>
    %slice3A_415 = vector.extract_strided_slice %convert_element_type3A_10 {offsets = [0, 7424], sizes = [512, 128], strides = [1, 1]} : vector<512x8192xbf16> to vector<512x128xbf16>
    %get3A_416 = arith.constant 0 : index
    %get3A_417 = arith.constant 7424 : index
    %get3A_418 = vector.load %arg4[%get3A_416, %get3A_417] : memref<1x8192xbf16, #tpu.memory_space<vmem>>, vector<1x128xbf16>
    %sub3A_419 = vector.broadcast %get3A_418 : vector<1x128xbf16> to vector<512x128xbf16>
    %sub3A_420 = arith.subf %slice3A_415, %sub3A_419 : vector<512x128xbf16>
    %max3A_421 = arith.maximumf %max3A_414, %sub3A_420 : vector<512x128xbf16>
    %slice3A_422 = vector.extract_strided_slice %convert_element_type3A_10 {offsets = [0, 7552], sizes = [512, 128], strides = [1, 1]} : vector<512x8192xbf16> to vector<512x128xbf16>
    %get3A_423 = arith.constant 0 : index
    %get3A_424 = arith.constant 7552 : index
    %get3A_425 = vector.load %arg4[%get3A_423, %get3A_424] : memref<1x8192xbf16, #tpu.memory_space<vmem>>, vector<1x128xbf16>
    %sub3A_426 = vector.broadcast %get3A_425 : vector<1x128xbf16> to vector<512x128xbf16>
    %sub3A_427 = arith.subf %slice3A_422, %sub3A_426 : vector<512x128xbf16>
    %max3A_428 = arith.maximumf %max3A_421, %sub3A_427 : vector<512x128xbf16>
    %slice3A_429 = vector.extract_strided_slice %convert_element_type3A_10 {offsets = [0, 7680], sizes = [512, 128], strides = [1, 1]} : vector<512x8192xbf16> to vector<512x128xbf16>
    %get3A_430 = arith.constant 0 : index
    %get3A_431 = arith.constant 7680 : index
    %get3A_432 = vector.load %arg4[%get3A_430, %get3A_431] : memref<1x8192xbf16, #tpu.memory_space<vmem>>, vector<1x128xbf16>
    %sub3A_433 = vector.broadcast %get3A_432 : vector<1x128xbf16> to vector<512x128xbf16>
    %sub3A_434 = arith.subf %slice3A_429, %sub3A_433 : vector<512x128xbf16>
    %max3A_435 = arith.maximumf %max3A_428, %sub3A_434 : vector<512x128xbf16>
    %slice3A_436 = vector.extract_strided_slice %convert_element_type3A_10 {offsets = [0, 7808], sizes = [512, 128], strides = [1, 1]} : vector<512x8192xbf16> to vector<512x128xbf16>
    %get3A_437 = arith.constant 0 : index
    %get3A_438 = arith.constant 7808 : index
    %get3A_439 = vector.load %arg4[%get3A_437, %get3A_438] : memref<1x8192xbf16, #tpu.memory_space<vmem>>, vector<1x128xbf16>
    %sub3A_440 = vector.broadcast %get3A_439 : vector<1x128xbf16> to vector<512x128xbf16>
    %sub3A_441 = arith.subf %slice3A_436, %sub3A_440 : vector<512x128xbf16>
    %max3A_442 = arith.maximumf %max3A_435, %sub3A_441 : vector<512x128xbf16>
    %slice3A_443 = vector.extract_strided_slice %convert_element_type3A_10 {offsets = [0, 7936], sizes = [512, 128], strides = [1, 1]} : vector<512x8192xbf16> to vector<512x128xbf16>
    %get3A_444 = arith.constant 0 : index
    %get3A_445 = arith.constant 7936 : index
    %get3A_446 = vector.load %arg4[%get3A_444, %get3A_445] : memref<1x8192xbf16, #tpu.memory_space<vmem>>, vector<1x128xbf16>
    %sub3A_447 = vector.broadcast %get3A_446 : vector<1x128xbf16> to vector<512x128xbf16>
    %sub3A_448 = arith.subf %slice3A_443, %sub3A_447 : vector<512x128xbf16>
    %max3A_449 = arith.maximumf %max3A_442, %sub3A_448 : vector<512x128xbf16>
    %slice3A_450 = vector.extract_strided_slice %convert_element_type3A_10 {offsets = [0, 8064], sizes = [512, 128], strides = [1, 1]} : vector<512x8192xbf16> to vector<512x128xbf16>
    %get3A_451 = arith.constant 0 : index
    %get3A_452 = arith.constant 8064 : index
    %get3A_453 = vector.load %arg4[%get3A_451, %get3A_452] : memref<1x8192xbf16, #tpu.memory_space<vmem>>, vector<1x128xbf16>
    %sub3A_454 = vector.broadcast %get3A_453 : vector<1x128xbf16> to vector<512x128xbf16>
    %sub3A_455 = arith.subf %slice3A_450, %sub3A_454 : vector<512x128xbf16>
    %max3A_456 = arith.maximumf %max3A_449, %sub3A_455 : vector<512x128xbf16>
    %convert_element_type3A_457 = arith.extf %max3A_456 : vector<512x128xbf16> to vector<512x128xf32>
    %reduce_max3A = arith.constant dense<0xFF800000> : vector<512xf32>
    %reduce_max3A_458 = vector.multi_reduction <maximumf>, %convert_element_type3A_457, %reduce_max3A [1] : vector<512x128xf32> to vector<512xf32>
    %mul3A_459 = arith.constant 2.000000e+00 : f32
    %mul3A_460 = vector.broadcast %mul3A_459 : f32 to vector<512xf32>
    %mul3A_461 = arith.mulf %mul3A_460, %reduce_max3A_458 : vector<512xf32>
    %sub3A_462 = arith.subf %reduce_sum3A_4, %mul3A_461 : vector<512xf32>
    %reduce_sum3A_463 = vector.shape_cast %sub3A_462 : vector<512xf32> to vector<1x512xf32>
    %reduce_sum3A_464 = arith.constant dense<0.000000e+00> : vector<1xf32>
    %reduce_sum3A_465 = vector.multi_reduction <add>, %reduce_sum3A_463, %reduce_sum3A_464 [1] : vector<1x512xf32> to vector<1xf32>
    %reduce_sum3A_466 = vector.shape_cast %reduce_sum3A_465 : vector<1xf32> to vector<1x1xf32>
    %reduce_sum3A_467 = vector.extract %reduce_sum3A_466[0, 0] : f32 from vector<1x1xf32>
    %div3A = arith.constant 0x4A000000 : f32
    %div3A_468 = arith.divf %reduce_sum3A_467, %div3A : f32
    %reshape3A = vector.broadcast %div3A_468 : f32 to vector<1x1xf32>
    %eq3A_469 = arith.constant 0 : i32
    %eq3A_470 = arith.cmpi eq, %arg0, %eq3A_469 : i32
    %convert_element_type3A_471 = arith.extui %eq3A_470 : i1 to i32
    %cond3A_472 = arith.constant 0 : i32
    %cond3A_473 = arith.cmpi ne, %convert_element_type3A_471, %cond3A_472 : i32
    scf.if %cond3A_473 {
      %broadcast_in_dim3A_479 = arith.constant 0.000000e+00 : f32
      %broadcast_in_dim3A_480 = vector.broadcast %broadcast_in_dim3A_479 : f32 to vector<1x1xf32>
      %swap3A_481 = arith.constant 0 : index
      %swap3A_482 = arith.constant 0 : index
      %swap3A_483 = vector.load %arg3[%swap3A_481, %swap3A_482] : memref<1x1xf32, #tpu.memory_space<vmem>>, vector<1x1xf32>
      tpu.vector_store %arg3[%swap3A_481, %swap3A_482], %broadcast_in_dim3A_480 {strides = array<i32>} : memref<1x1xf32, #tpu.memory_space<vmem>>, vector<1x1xf32>,
    } else {
    }
    %get3A_474 = arith.constant 0 : index
    %get3A_475 = arith.constant 0 : index
    %get3A_476 = vector.load %arg3[%get3A_474, %get3A_475] : memref<1x1xf32, #tpu.memory_space<vmem>>, vector<1x1xf32>
    %add3A = arith.addf %get3A_476, %reshape3A : vector<1x1xf32>
    %swap3A = arith.constant 0 : index
    %swap3A_477 = arith.constant 0 : index
    %swap3A_478 = vector.load %arg3[%swap3A, %swap3A_477] : memref<1x1xf32, #tpu.memory_space<vmem>>, vector<1x1xf32>
    tpu.vector_store %arg3[%swap3A, %swap3A_477], %add3A {strides = array<i32>} : memref<1x1xf32, #tpu.memory_space<vmem>>, vector<1x1xf32>,
    return
  }
  func.func @transform_0(%arg0: i32) -> (i32, i32) {
    %c0_i32 = arith.constant 0 : i32
    %c0_i32_0 = arith.constant 0 : i32
    return %arg0, %c0_i32 : i32, i32
  }
  func.func @transform_1(%arg0: i32) -> (i32, i32) {
    %c0_i32 = arith.constant 0 : i32
    %c0_i32_0 = arith.constant 0 : i32
    %c0_i32_1 = arith.constant 0 : i32
    return %c0_i32, %c0_i32_0 : i32, i32
  }
  func.func @transform_2(%arg0: i32) -> (i32, i32) {
    %c0_i32 = arith.constant 0 : i32
    %c0_i32_0 = arith.constant 0 : i32
    %c0_i32_1 = arith.constant 0 : i32
    return %c0_i32, %c0_i32_0 : i32, i32
  }
}

</mosaic_0001>

<sc_bundles>
// kernel: kernel.4.cloned.1.call-start
scs
__scs_entry_jumppad:
0x0: {  	(pc) =	sbr.rel $0x88, $3  }
0x1: {  	(tag) =	ssettag $0x0;
	lr =	simm.s32 $0x1  }
0x2: {  	[smem:$0x3F9D] =	sst lr;
	_ =	strace $0xD0000000  }
0x3: {  	_ = 	snop  }
0x4: {  	_ = 	snop  }
0x5: {  	_ = 	snop  }
0x6: {  	_ = 	snop  }
0x7: {  	_ = 	snop  }
__scs_overlays_trampoline_lowered:
0x8: {  	[smem:$0x3FAC] =	sst s0  }
0x9: {  	[smem:$0x3FAD] =	sst s1  }
0xa: {  	[smem:$0x3FAE] =	sst s2  }
0xb: {  	[smem:$0x3FAF] =	sst s3  }
0xc: {  	[smem:$0x3FB0] =	sst s4  }
0xd: {  	[smem:$0x3FB1] =	sst s5  }
0xe: {  	[smem:$0x3FB2] =	sst s6  }
0xf: {  	[smem:$0x3FB3] =	sst s7  }
0x10: {  	[smem:$0x3FB4] =	sst s8  }
0x11: {  	[smem:$0x3FB5] =	sst s9;
	s0 =	simm.s32 @!p0 $0x0  }
0x12: {  	s1 =	sld [smem:$0x3F9B];
	s0 =	simm.s32 @p0 $0x1  }
0x13: {  	[smem:$0x3FB6] =	sst s0;
	s0 =	simm.s32 @!p1 $0x0  }
0x14: {  	s2 =	sld [smem:$0x3F9A];
	s0 =	simm.s32 @p1 $0x1  }
0x15: {  	[smem:$0x3FB7] =	sst s0;
	s0 =	simm.s32 @!p2 $0x0  }
0x16: {  	s3 =	sld [smem:$0x3FDB];
	s0 =	simm.s32 @p2 $0x1  }
0x17: {  	s4 =	simm.s32 $0x1BF5;
	[smem:$0x3FB9] =	sst s0  }
0x18: {  	s0 =	sld [smem:$0x3F9C];
	_ =	swait.ge [sflag:s4], $0x0  }
0x19: {  	s7 =	sld [smem:$0x3F9D]  }
0x1a: {  	s8 =	sadd.s32 $0xFFFFE003, lr  }
0x1b: {  	s9 =	sadd.s32 $0xFFFFFEF7, lr;
	s5 =	simm.s32 $0xFFFFFFFF;
	p2 =	slt.u32 s8, $0xFFFFF086  }
0x1c: {  	p1 =	slt.u32 s9, $0xF7A;
	s5 =	simm.s32 @!p2 $0x0  }
0x1d: {  	s5 =	simm.s32 @p1 $0x1;
	p0 =	seq.s32 s7, s2  }
0x1e: {  	s7 =	smul.u32 @!p0 $0xF7A, s2;
	p2 =	seq.s32 @!p0 s5, $0x0  }
0x1f: {  	s9 =	smul.u32 $0xF7A, s1;
	s8 =	simm.s32 @!p0 $0x1BF5;
	p2 =	por !p2, p0  }
0x20: {  	[sflag:s8] =	ssyncset.s32 @!p0 $0xFFFFF086;
	s6 =	sadd.s32 @!p0 s3, s7;
	s7 =	simm.s32 @!p0 $0x108  }
0x21: {  	s3 =	sadd.s32 s3, s9;
	s6 =	sadd.s32 @!p0 $0x88, s6;
	s7 =	simm.s32 @p2 $0x1082  }
0x22: {  	[simem:s7], [sflag:s8] =	dma.local @!p0 [hbm:s6], $0xF7A  }
0x23: {  	s9 =	sor.u32 $0xD0000000, s2;
	s6 =	simm.s32 $0x108;
	_ =	swait.ge @!p0 [sflag:s8], $0x0  }
0x24: {  	s3 =	sadd.s32 $0x88, s3;
	s6 =	simm.s32 @!p1 $0x1082;
	[sflag:s4] =	ssyncset.s32 $0xFFFFF086  }
0x25: {  	[simem:s6], [sflag:s4] =	dma.local [hbm:s3], $0xF7A  }
0x26: {  	[smem:$0x3F9D] =	sst s1;
	(tag) =	ssettag s2;
	_ =	strace s9  }
0x27: {  	s1 =	sld [smem:$0x3FAD]  }
0x28: {  	s2 =	sld [smem:$0x3FAE]  }
0x29: {  	s4 =	sld [smem:$0x3FB0]  }
0x2a: {  	p0 =	seq.s32 s5, $0x0;
	s5 =	sld [smem:$0x3FB1]  }
0x2b: {  	s6 =	sld [smem:$0x3FB2]  }
0x2c: {  	s7 =	sld [smem:$0x3FB3]  }
0x2d: {  	s3 =	simm.s32 $0x108;
	s8 =	sld [smem:$0x3FB4]  }
0x2e: {  	s3 =	simm.s32 @!p0 $0x1082;
	s9 =	sld [smem:$0x3FB5]  }
0x2f: {  	lr =	sadd.s32 s0, s3;
	s0 =	sld [smem:$0x3FAC]  }
0x30: {  	s3 =	sld [smem:$0x3FAF]  }
0x31: {  	[smem:$0x3FB8] =	sst s10  }
0x32: {  	s10 =	sld [smem:$0x3FB6];
	_ =	sdelay $0x3  }
0x33: {  	p0 =	seq.s32 s10, $0x1;
	s10 =	sld [smem:$0x3FB8];
	_ =	sdelay $0x3  }
0x34: {  	[smem:$0x3FB8] =	sst s10  }
0x35: {  	s10 =	sld [smem:$0x3FB7];
	_ =	sdelay $0x3  }
0x36: {  	p1 =	seq.s32 s10, $0x1;
	s10 =	sld [smem:$0x3FB8];
	_ =	sdelay $0x3  }
0x37: {  	[smem:$0x3FB8] =	sst s10  }
0x38: {  	s10 =	sld [smem:$0x3FB9]  }
0x39: {  	_ = 	snop;
	(pc) =	sbr.ind lr, $3  }
0x3a: {  	_ = 	snop  }
0x3b: {  	_ = 	snop  }
0x3c: {  	p2 =	seq.s32 s10, $0x1;
	s10 =	sld [smem:$0x3FB8]  }
0x3d: {  	_ =	shalt  }
0x3e: {  	_ =	shalt  }
0x3f: {  	_ =	shalt  }
0x40: {  	_ =	shalt  }
0x41: {  	_ =	shalt  }
0x42: {  	_ =	shalt  }
0x43: {  	_ =	shalt  }
0x44: {  	_ =	shalt  }
0x45: {  	_ =	shalt  }
0x46: {  	_ =	shalt  }
0x47: {  	_ =	shalt  }
0x48: {  	_ =	shalt  }
0x49: {  	_ =	shalt  }
0x4a: {  	_ =	shalt  }
0x4b: {  	_ =	shalt  }
0x4c: {  	_ =	shalt  }
0x4d: {  	_ =	shalt  }
0x4e: {  	_ =	shalt  }
0x4f: {  	_ =	shalt  }
0x50: {  	_ =	shalt  }
0x51: {  	_ =	shalt  }
0x52: {  	_ =	shalt  }
0x53: {  	_ =	shalt  }
0x54: {  	_ =	shalt  }
0x55: {  	_ =	shalt  }
0x56: {  	_ =	shalt  }
0x57: {  	_ =	shalt  }
0x58: {  	_ =	shalt  }
0x59: {  	_ =	shalt  }
0x5a: {  	_ =	shalt  }
0x5b: {  	_ =	shalt  }
0x5c: {  	_ =	shalt  }
0x5d: {  	_ =	shalt  }
0x5e: {  	_ =	shalt  }
0x5f: {  	_ =	shalt  }
0x60: {  	_ =	shalt  }
0x61: {  	_ =	shalt  }
0x62: {  	_ =	shalt  }
0x63: {  	_ =	shalt  }
0x64: {  	_ =	shalt  }
0x65: {  	_ =	shalt  }
0x66: {  	_ =	shalt  }
0x67: {  	_ =	shalt  }
0x68: {  	_ =	shalt  }
0x69: {  	_ =	shalt  }
0x6a: {  	_ =	shalt  }
0x6b: {  	_ =	shalt  }
0x6c: {  	_ =	shalt  }
0x6d: {  	_ =	shalt  }
0x6e: {  	_ =	shalt  }
0x6f: {  	_ =	shalt  }
0x70: {  	_ =	shalt  }
0x71: {  	_ =	shalt  }
0x72: {  	_ =	shalt  }
0x73: {  	_ =	shalt  }
0x74: {  	_ =	shalt  }
0x75: {  	_ =	shalt  }
0x76: {  	_ =	shalt  }
0x77: {  	_ =	shalt  }
0x78: {  	_ =	shalt  }
0x79: {  	_ =	shalt  }
0x7a: {  	_ =	shalt  }
0x7b: {  	_ =	shalt  }
0x7c: {  	_ =	shalt  }
0x7d: {  	_ =	shalt  }
0x7e: {  	_ =	shalt  }
0x7f: {  	_ =	shalt  }
0x80: {  	_ =	shalt  }
0x81: {  	_ =	shalt  }
0x82: {  	_ =	shalt  }
0x83: {  	_ =	shalt  }
0x84: {  	_ =	shalt  }
0x85: {  	_ =	shalt  }
0x86: {  	_ =	shalt  }
0x87: {  	_ =	shalt  }
.Lfunc_end0:
.L_simem_size_0:
called_computation_lowered:
.L_overlay_start_0:
0x88: {  	s2 =	sld [smem:$0x3FD9]  }
0x89: {  	s3 =	sld [smem:$0x3FFE];
	_ =	sdelay $0x1  }
0x8a: {  	s1 =	srdreg.scid  }
0x8b: {  	s0 =	sand.u32 $0x1, s1  }
0x8c: {  	s16 =	sshll.u32 s0, $0xA;
	s2 =	sadd.s32 s3, s2  }
0x8d: {  	s2 =	sadd.s32 s2, s16  }
0x8e: {  	[smem:$0x3FC4] =	sst s2  }
0x8f: {  	_ = 	snop  }
0x90: {  	(tm) =	ssettm $0x1  }
0x91: {  	s17 =	sld [smem:$0x3FFB];
	_ =	sdelay $0x3  }
0x92: {  	_ =	strace s17  }
0x93: {  	s2 =	sld [smem:$0x3FFC];
	_ =	sdelay $0x3  }
0x94: {  	_ =	strace s2  }
0x95: {  	s2 =	sld [smem:$0x3FFD];
	_ =	sdelay $0x3  }
0x96: {  	_ =	strace s2  }
0x97: {  	_ =	strace $0x8FFFFFFF  }
0x98: {  	s18 =	sld [smem:$0x3FDB];
	_ =	sdelay $0x1  }
0x99: {  	s19 =	simm.s32 $_scs_section_size  }
0x9a: {  	s4 =	simm.s32 $_size__tile_overlayer_lowered;
	s5 =	simm.s32 $_tile_overlayer_lowered  }
0x9b: {  	s22 =	simm.s32 $0x1BFF;
	s21 =	sshll.u32 s5, $0x1;
	s2 =	sadd.s32 s19, s18  }
0x9c: {  	s6 =	simm.s32 $0x0;
	s20 =	sshll.u32 s4, $0x1;
	s4 =	sadd.s32 s21, s2  }
0x9d: {  	[timem:s6], [sflag:s22] =	dma.local [hbm:s4], s20  }
0x9e: {  	_ =	swait.ge [sflag:s22], s20  }
0x9f: {  	s3 =	ssub.s32 $0x0, s20;
	[sflag:s22] =	ssyncset.done $0x0  }
0xa0: {  	[sflag:s22] =	ssyncadd.s32 s3;
	_ =	sdelay $0x1  }
0xa1: {  	s23 =	simm.s32 $0x1B8B  }
0xa2: {  	_ =	swait.ge [sflag:s23], $0x1  }
0xa3: {  	[sflag:s23] =	ssyncset.done $0x0  }
0xa4: {  	s25 =	simm.s32 $0x1B8E;
	s24 =	sld [smem:$0x3FFE];
	[sflag:s23] =	ssyncadd.s32 $0xFFFFFFFF  }
0xa5: {  	s26 =	simm.s32 $execute0_lowered;
	[smem:$0x3FD2] =	sst s25  }
0xa6: {  	s4 =	sshll.u32 s26, $0x1;
	_ =	strace $0x80000046;
	[dreg:$0x1] =	wrdreg $0xFFFFFFFF  }
0xa7: {  	s28 =	simm.s32 $_size_execute0_lowered;
	s2 =	sadd.s32 s2, s4;
	[dreg:$0x0] =	wrdreg $0x0  }
0xa8: {  	s4 =	sshll.u32 s28, $0x1;
	[dreg:$0x2] =	wrdreg s2  }
0xa9: {  	[dreg:$0x3] =	wrdreg s4  }
0xaa: {  	[dreg:$0x4] =	wrdreg $0xC0  }
0xab: {  	_ =	task [dreg:s6], $0x5FFFF  }
0xac: {  	[dreg:$0x1] =	wrdreg $0xFFFFFFFF  }
0xad: {  	[dreg:$0x0] =	wrdreg $0x60  }
0xae: {  	[dreg:$0x2] =	wrdreg s24  }
0xaf: {  	[dreg:$0x3] =	wrdreg $0x9  }
0xb0: {  	_ =	task.clear_ibuf [dreg:s6], $0x4FFFF;
	_ =	strace $0x90000046  }
0xb1: {  	s29 =	simm.s32 $0x9;
	_ =	strace $0x80000048  }
0xb2: {  	_ =	swait.ge [sflag:s29], $0x1  }
0xb3: {  	[sflag:s29] =	ssyncadd.s32 $0xFFFFFFFF  }
0xb4: {  	_ =	strace $0x90000048  }
0xb5: {  	_ =	sfence  }
0xb6: {  	s30 =	sld [smem:$0x0];
	_ =	sdelay $0x2  }
0xb7: {  	s31 =	sshll.u32 s1, $0xD;
	s1 =	sshrl.u32 s1, $0x2  }
0xb8: {  	s3 =	sand.u32 $0x4000, s31;
	s1 =	sadd.s32 s1, s30  }
0xb9: {  	s0 =	sor.u32 s3, s0;
	s1 =	sshll.u32 s1, $0x11  }
0xba: {  	s0 =	sor.u32 s1, s0  }
0xbb: {  	s0 =	sadd.s32 $0x8F2B, s0  }
0xbc: {  	[sflag:s0] =	ssyncadd.remote.s32 $0x1  }
0xbd: {  	_ =	sfence.sel $0xFFFF  }
0xbe: {  	[dreg:$0x0] =	wrdreg $0xFFFFFFFF;
	(pc) =	sbr.abs _section_cstart, $3  }
0xbf: {  	[dreg:$0x1] =	wrdreg $0xFFFFFFFF  }
0xc0: {  	_ =	task.clear_ibuf [dreg:s6], $0x2FFFF;
	_ =	strace $0x9FFFFFFF  }
0xc1: {  	(tm) =	ssettm $0x7FFFFFFF  }
tec
execute0_lowered:
.L_overlay_start_1:
0x0: {  	(tag) =	ssettag $0x1  }
0x1: {  	s5 =	rddreg [dreg:$0x0]  }
0x2: {  	s0 =	rddreg [dreg:$0x1];
	s2 =	simm.s32 $0x0;
	s3 =	srdreg.scid  }
0x3: {  	s1 =	stileid.u32;
	s10 =	simm.s32 $0x6000;
	s11 =	simm.s32 $0x0  }
0x4: {  	s15 =	simm.s32 $0x0;
	s4 =	sand.u32 $0x1, s3;
	s6 =	sshll.u32 s1, $0x1  }
0x5: {  	[smem:$0x7FF] =	sst s2;
	s3 =	sadd.s32 $0x1000, s5;
	s6 =	sor.u32 s4, s6  }
0x6: {  	_ =	strace $0x80000047;
	s7 =	ssub.s32 $0x2, s4;
	s8 =	sshll.u32 s6, $0x4  }
0x7: {  	s4 =	sadd.s32 $0xC1000, s5;
	s9 =	sshrl.u32 s7, $0x1;
	s8 =	sadd.s32 s8, s5  }
0x8: {  	s7 =	ssub.s32 s7, s9;
	s5 =	smul.u32 $0x30000, s6;
	s9 =	simm.s32 $0x3000  }
0x9: {  	s6 =	sadd.s32 $0x181000, s8;
	s7 =	smax.u32 s7, $0x1;
	s8 =	simm.s32 $0x1  }
.LBB2_1:
0xa: {  	v0 =	vimm.f32 $0.0e+00;
	s12 =	simm.s32 $0x0  }
.LBB2_2:
0xb: {  	s13 =	smul.u32 $0x3000, s12;
	_ =	sdelay $0x1  }
0xc: {  	s13 =	sadd.s32 s5, s13  }
0xd: {  	s13 =	sshrl.u32 s13, $0x3  }
0xe: {  	s14 =	sadd.s32 s3, s13  }
0xf: {  	[tilespmem:s15], [sflag:$0x1] =	stream.linear.gather [hbm4b:s14+s15], $0x3000, $0x38;
	[tilespmem:$0x6080] =	vst v63  }
0x10: {  	_ =	swait.ge [sflag:s8], $0x3000  }
0x11: {  	[sflag:s8] =	ssyncset.done $0x0  }
0x12: {  	s13 =	sadd.s32 s4, s13;
	[sflag:s8] =	ssyncadd.s32 $0xFFFFD000  }
0x13: {  	[tilespmem:s9], [sflag:$0x1] =	stream.linear.gather [hbm4b:s13+s15], $0x3000, $0x38;
	[tilespmem:$0x6080] =	vst v63  }
0x14: {  	_ =	swait.ge [sflag:s8], $0x3000  }
0x15: {  	[sflag:s8] =	ssyncset.done $0x0  }
0x16: {  	s31 =	simm.s32 $0x0;
	[sflag:s8] =	ssyncadd.s32 $0xFFFFD000  }
0x17: {  	v1 =	vld [tilespmem:s31+$0x0]  }
0x18: {  	v2 =	vld [tilespmem:s31+$0x3000];
	_ =	sdelay $0x2  }
0x19: {  	s13 =	simm.s32 $0x40  }
.LBB2_3:
0x1a: {  	s14 =	sshra.s32 s13, $0x2;
	p0 =	sne.s32 s13, $0xBFC0  }
.Ltmp0:
0x1b: {  	s13 =	sadd.s32 $0x40, s13;
	v3 =	vsub.f32 v1, v2;
	v1 =	vld [tilespmem:s14+$0x0];
	(pc) =	sbr.rel @p0 .LBB2_3-.Ltmp0, $3  }
0x1c: {  	v2 =	vld [tilespmem:s14+$0x3000]  }
0x1d: {  	v3 =	vmul.f32 v3, v3;
	_ =	sdelay $0x1  }
0x1e: {  	v0 =	vadd.f32 v3, v0  }
0x1f: {  	s12 =	sadd.s32 $0x1, s12  }
0x20: {  	p0 =	sne.s32 s12, $0x10  }
.Ltmp1:
0x21: {  	v1 =	vsub.f32 v1, v2;
	(pc) =	sbr.rel @p0 .LBB2_2-.Ltmp1, $3  }
0x22: {  	_ = 	snop  }
0x23: {  	v1 =	vmul.f32 v1, v1;
	_ =	sdelay $0x1  }
0x24: {  	v0 =	vadd.f32 v1, v0  }
0x25: {  	s11 =	sadd.s32 $0x1, s11  }
0x26: {  	p0 =	sne.s32 s11, s7  }
.Ltmp2:
0x27: {  	[tilespmem:$0x6000] =	vst v0;
	(pc) =	sbr.rel @p0 .LBB2_1-.Ltmp2, $4  }
0x28: {  	[hbm4b:s6+s2] =	stream.linear.scatter [tilespmem:s10], [sflag:$0x1], $0x80, $0x38;
	[tilespmem:$0x6080] =	vst v63  }
0x29: {  	_ =	swait.ge [sflag:s8], $0x80  }
0x2a: {  	[sflag:s8] =	ssyncset.done $0x0  }
0x2b: {  	[sflag:s8] =	ssyncadd.s32 $0xFFFFFF80  }
0x2c: {  	_ =	sfence.sel $0x180000  }
0x2d: {  	[bflag:$0x0] =	sbarrier.arrive $0xFFFF  }
0x2e: {  	p0 =	sne.s32 s1, $0x0;
	_ =	strace $0x90000047  }
0x2f: {  	s0 =	sadd.s32 @!p0 $0x100000, s0;
	[bflag:$0x2] =	sbarrier.arrive $0xFFFF  }
0x30: {  	[sflag:s0] =	ssyncadd.tile.s32 @!p0 $0x1;
	_ =	shalt  }
.Lfunc_end2:
_tile_overlayer_lowered:
.L_overlay_start_2:
0x31: {  	(tag) =	ssettag $0x2  }
0x32: {  	s0 =	rddreg [dreg:$0x0];
	s2 =	stileid.u32  }
0x33: {  	s1 =	rddreg [dreg:$0x1];
	p0 =	sne.s32 s2, $0x0  }
0x34: {  	s3 =	rddreg [dreg:$0x2];
	[bflag:$0x3] =	sbarrier.arrive $0xFFFF;
	s2 =	simm.s32 @!p0 $0x1C01  }
0x35: {  	[timem:s3], [sflag:s2] =	dma.local @!p0 [hbm:s0], s1  }
0x36: {  	s0 =	simm.s32 @!p0 $0x1  }
0x37: {  	_ =	swait.ge @!p0 [sflag:s0], s1  }
0x38: {  	s1 =	ssub.s32 @!p0 $0x0, s1;
	[sflag:s0] =	ssyncset.done @!p0 $0x0  }
0x39: {  	[sflag:s0] =	ssyncadd.s32 @!p0 s1  }
0x3a: {  	[bflag:$0x3] =	sbarrier.arrive $0xFFFF  }
0x3b: {  	_ =	shalt  }

</sc_bundles>
